<compile_context>
chip_gen: v7x
topology: tpu7x:2x2x1
jax: 0.10.2.dev20260603
libtpu: 0.0.44.dev20260713+nightly
codegen_flags: <defaults>
</compile_context>

<pallas_src>
import functools

import jax
import jax.numpy as jnp
from jax import lax
from jax.experimental import pallas as pl
from jax.experimental.pallas import tpu as pltpu
from jax.experimental.pallas import tpu_sc as plsc

N = 10000
E = 320000
DF = 128
DH = 64
NG = 64
NL = 10

NC, NS, LANES = 2, 16, 16
NW = NC * NS
CHUNK = 128
CPT = -(-E // (NW * CHUNK))
EPAD = NW * CPT * CHUNK
NPAD = 10240
RPT = NPAD // NS

_mesh = lambda: plsc.VectorSubcoreMesh(core_axis_name="c", subcore_axis_name="s")


@functools.partial(
    pl.kernel,
    out_type=jax.ShapeDtypeStruct((NC, NPAD, LANES), jnp.float32),
    mesh=_mesh(),
    compiler_params=pltpu.CompilerParams(use_tc_tiling_on_sc=False),
    scratch_types=[
        pltpu.VMEM((CPT, CHUNK), jnp.int32),
        pltpu.VMEM((CHUNK, LANES), jnp.float32),
        pltpu.VMEM_SHARED((NPAD, LANES), jnp.float32),
    ],
)
def _sc_degree(dst_hbm, ones_hbm, zeros_hbm, out_hbm, dst_v, ones_v, accum):
    c = lax.axis_index("c")
    s = lax.axis_index("s")
    wid = s * NC + c
    pltpu.sync_copy(dst_hbm.at[wid], dst_v)
    pltpu.sync_copy(ones_hbm, ones_v)
    pltpu.sync_copy(zeros_hbm.at[pl.ds(s * RPT, RPT)], accum.at[pl.ds(s * RPT, RPT)])
    plsc.subcore_barrier()

    def body(j, carry):
        pltpu.sync_copy(ones_v, accum.at[dst_v.at[j]], add=True)
        return carry

    lax.fori_loop(0, CPT, body, 0)
    plsc.subcore_barrier()
    pltpu.sync_copy(accum.at[pl.ds(s * RPT, RPT)], out_hbm.at[c, pl.ds(s * RPT, RPT)])


@functools.partial(
    pl.kernel,
    out_type=jax.ShapeDtypeStruct((NC, NPAD, DH), jnp.float32),
    mesh=_mesh(),
    compiler_params=pltpu.CompilerParams(use_tc_tiling_on_sc=False),
    scratch_types=[
        pltpu.VMEM((CPT, CHUNK), jnp.int32),
        pltpu.VMEM((CPT, CHUNK), jnp.int32),
        pltpu.VMEM((CHUNK, DH), jnp.float32),
        pltpu.VMEM_SHARED((NPAD, DH), jnp.float32),
        pltpu.SemaphoreType.DMA,
    ],
)
def _sc_agg(g_hbm, src_hbm, dst_hbm, zeros_hbm, out_hbm, src_v, dst_v, rows_v, accum, sem):
    c = lax.axis_index("c")
    s = lax.axis_index("s")
    wid = s * NC + c
    pltpu.sync_copy(src_hbm.at[wid], src_v)
    pltpu.sync_copy(dst_hbm.at[wid], dst_v)
    pltpu.sync_copy(zeros_hbm.at[pl.ds(s * RPT, RPT)], accum.at[pl.ds(s * RPT, RPT)])
    plsc.subcore_barrier()

    def body(j, carry):
        pltpu.async_copy(g_hbm.at[src_v.at[j]], rows_v, sem).wait()
        pltpu.sync_copy(rows_v, accum.at[dst_v.at[j]], add=True)
        return carry

    lax.fori_loop(0, CPT, body, 0)
    plsc.subcore_barrier()
    pltpu.sync_copy(accum.at[pl.ds(s * RPT, RPT)], out_hbm.at[c, pl.ds(s * RPT, RPT)])


_BR = 2000
_NB = N // _BR


def _tc1_body(x_ref, w1_ref, dp_ref, g1_ref, dinv_ref):
    deg = dp_ref[0, :, 0:1] + dp_ref[1, :, 0:1] + 1.0
    dinv = lax.rsqrt(deg)
    h = jnp.dot(x_ref[...], w1_ref[...], preferred_element_type=jnp.float32)
    g1_ref[...] = h * dinv
    dinv_ref[...] = dinv


def _tc1(x, W1, dp):
    return pl.pallas_call(
        _tc1_body,
        grid=(_NB,),
        in_specs=[
            pl.BlockSpec((_BR, DF), lambda i: (i, 0)),
            pl.BlockSpec((DF, DH), lambda i: (0, 0)),
            pl.BlockSpec((NC, _BR, LANES), lambda i: (0, i, 0)),
        ],
        out_specs=[
            pl.BlockSpec((_BR, DH), lambda i: (i, 0)),
            pl.BlockSpec((_BR, 1), lambda i: (i, 0)),
        ],
        out_shape=[
            jax.ShapeDtypeStruct((N, DH), jnp.float32),
            jax.ShapeDtypeStruct((N, 1), jnp.float32),
        ],
    )(x, W1, dp)


def _tc2_body(sp_ref, g1_ref, dinv_ref, b1_ref, w2_ref, g2_ref):
    dinv = dinv_ref[...]
    stot = sp_ref[0] + sp_ref[1] + g1_ref[...]
    h = jnp.maximum(dinv * stot + b1_ref[...], 0.0)
    g2_ref[...] = jnp.dot(h, w2_ref[...], preferred_element_type=jnp.float32) * dinv


def _tc2(sp, g1, dinv, b1, W2):
    return pl.pallas_call(
        _tc2_body,
        grid=(_NB,),
        in_specs=[
            pl.BlockSpec((NC, _BR, DH), lambda i: (0, i, 0)),
            pl.BlockSpec((_BR, DH), lambda i: (i, 0)),
            pl.BlockSpec((_BR, 1), lambda i: (i, 0)),
            pl.BlockSpec((1, DH), lambda i: (0, 0)),
            pl.BlockSpec((DH, DH), lambda i: (0, 0)),
        ],
        out_specs=pl.BlockSpec((_BR, DH), lambda i: (i, 0)),
        out_shape=jax.ShapeDtypeStruct((N, DH), jnp.float32),
    )(sp, g1, dinv, b1, W2)


def _tc3_body(sp_ref, g2_ref, dinv_ref, batch_ref, b2_ref, wf1_ref, bf1_ref,
              wf2_ref, bf2_ref, emb_ref, pred_ref, sums_acc, cnts_acc):
    i = pl.program_id(0)

    @pl.when(i == 0)
    def _():
        sums_acc[...] = jnp.zeros_like(sums_acc)
        cnts_acc[...] = jnp.zeros_like(cnts_acc)

    dinv = dinv_ref[...]
    stot = sp_ref[0] + sp_ref[1] + g2_ref[...]
    h2 = jnp.maximum(dinv * stot + b2_ref[...], 0.0)
    a1 = jnp.dot(h2, wf1_ref[...], preferred_element_type=jnp.float32) + bf1_ref[...]
    gid = lax.broadcasted_iota(jnp.int32, (_BR, NG), 1)
    oh = (batch_ref[...] == gid).astype(jnp.float32)
    dn = (((0,), (0,)), ((), ()))
    sums_acc[...] += lax.dot_general(oh, a1, dn, preferred_element_type=jnp.float32)
    cnts_acc[...] += lax.dot_general(oh, jnp.ones_like(a1), dn,
                                     preferred_element_type=jnp.float32)

    @pl.when(i == _NB - 1)
    def _():
        emb = sums_acc[...] / jnp.maximum(cnts_acc[...], 1.0)
        emb_ref[...] = emb
        pred_ref[...] = jnp.dot(emb, wf2_ref[...],
                                preferred_element_type=jnp.float32) + bf2_ref[...]


def _tc3(sp, g2, dinv, batch2, b2, Wf1, bf1, Wf2, bf2):
    return pl.pallas_call(
        _tc3_body,
        grid=(_NB,),
        in_specs=[
            pl.BlockSpec((NC, _BR, DH), lambda i: (0, i, 0)),
            pl.BlockSpec((_BR, DH), lambda i: (i, 0)),
            pl.BlockSpec((_BR, 1), lambda i: (i, 0)),
            pl.BlockSpec((_BR, 1), lambda i: (i, 0)),
            pl.BlockSpec((1, DH), lambda i: (0, 0)),
            pl.BlockSpec((DH, DH), lambda i: (0, 0)),
            pl.BlockSpec((1, DH), lambda i: (0, 0)),
            pl.BlockSpec((DH, NL), lambda i: (0, 0)),
            pl.BlockSpec((1, NL), lambda i: (0, 0)),
        ],
        out_specs=[
            pl.BlockSpec((NG, DH), lambda i: (0, 0)),
            pl.BlockSpec((NG, NL), lambda i: (0, 0)),
        ],
        out_shape=[
            jax.ShapeDtypeStruct((NG, DH), jnp.float32),
            jax.ShapeDtypeStruct((NG, NL), jnp.float32),
        ],
        scratch_shapes=[
            pltpu.VMEM((NG, DH), jnp.float32),
            pltpu.VMEM((NG, DH), jnp.float32),
        ],
    )(sp, g2, dinv, batch2, b2, Wf1, bf1, Wf2, bf2)


def kernel(x, edge_index, batch, W1, b1, W2, b2, Wf1, bf1, Wf2, bf2):
    src = edge_index[0]
    dst = edge_index[1]
    pad = EPAD - E
    src_p = jnp.concatenate([src, jnp.zeros((pad,), jnp.int32)]).reshape(NW, CPT, CHUNK)
    dst_p = jnp.concatenate([dst, jnp.full((pad,), NPAD - 1, jnp.int32)]).reshape(NW, CPT, CHUNK)
    ones16 = jnp.ones((CHUNK, LANES), jnp.float32)
    zeros16 = jnp.zeros((NPAD, LANES), jnp.float32)
    zeros64 = jnp.zeros((NPAD, DH), jnp.float32)

    dp = _sc_degree(dst_p, ones16, zeros16)
    g1, dinv = _tc1(x, W1, dp)
    sp1 = _sc_agg(g1, src_p, dst_p, zeros64)
    g2 = _tc2(sp1, g1, dinv, b1.reshape(1, -1), W2)
    sp2 = _sc_agg(g2, src_p, dst_p, zeros64)
    emb, pred = _tc3(sp2, g2, dinv, batch.reshape(-1, 1),
                     b2.reshape(1, -1), Wf1, bf1.reshape(1, -1),
                     Wf2, bf2.reshape(1, -1))
    return emb, jnp.asarray(0.0, jnp.float32), pred

# --- scband reference (transcript-rebuilt; emitter-appended) ---
"""Pipeline reference for scband-sage-41970420418158 (READ-ONLY COPY).

The authoritative reference and input builder live on the scoring server;
editing this copy changes nothing except your own understanding.
"""

import jax, jax.numpy as jnp
import numpy as np

N_NODES = 10000
N_EDGES = 320000
D_FEAT = 128
D1 = 64
D2 = 64
FDN = 16
SDN = 4
N_LABELS = 10
N_GRAPHS = 64


def gcn_conv(x, edge_index, W, b):
    """Faithful GCNConv: add self-loops, symmetric D^-1/2 (A+I) D^-1/2 normalization, scatter-add aggregate."""
    N = x.shape[0]
    loop = jnp.arange(N, dtype=edge_index.dtype)
    src = jnp.concatenate([edge_index[0], loop])
    dst = jnp.concatenate([edge_index[1], loop])
    deg = jnp.zeros((N,), x.dtype).at[dst].add(1.0)
    dinv = jnp.where(deg > 0, deg ** -0.5, 0.0)
    norm = dinv[src] * dinv[dst]
    h = x @ W
    msg = h[src] * norm[:, None]
    out = jnp.zeros((N, W.shape[1]), x.dtype).at[dst].add(msg)
    return out + b


def setup_inputs(seed: int = 0) -> dict:
    key = jax.random.key(seed)
    ks = jax.random.split(key, 12)
    x = jax.random.normal(ks[0], (N_NODES, D_FEAT), jnp.float32)
    edge_index = jax.random.randint(ks[1], (2, N_EDGES), 0, N_NODES, dtype=jnp.int32)
    batch = jnp.sort(jax.random.randint(ks[2], (N_NODES,), 0, N_GRAPHS, dtype=jnp.int32))
    W1 = jax.random.normal(ks[3], (D_FEAT, D1), jnp.float32) * 0.05
    b1 = jnp.zeros((D1,), jnp.float32)
    W2 = jax.random.normal(ks[4], (D1, D2), jnp.float32) * 0.05
    b2 = jnp.zeros((D2,), jnp.float32)
    Wf1 = jax.random.normal(ks[5], (D2, FDN * SDN), jnp.float32) * 0.05
    bf1 = jnp.zeros((FDN * SDN,), jnp.float32)
    Wf2 = jax.random.normal(ks[6], (FDN * SDN, N_LABELS), jnp.float32) * 0.05
    bf2 = jnp.zeros((N_LABELS,), jnp.float32)
    return {"x": x, "edge_index": edge_index, "batch": batch, "W1": W1, "b1": b1, "W2": W2, "b2": b2, "Wf1": Wf1, "bf1": bf1, "Wf2": Wf2, "bf2": bf2}


def reference(x, edge_index, batch, W1, b1, W2, b2, Wf1, bf1, Wf2, bf2):
    h1 = jax.nn.relu(gcn_conv(x, edge_index, W1, b1))
    h2 = jax.nn.relu(gcn_conv(h1, edge_index, W2, b2))
    a1 = h2 @ Wf1 + bf1
    # dropout(p=0.5) is identity in eval mode
    sums = jax.ops.segment_sum(a1, batch, num_segments=N_GRAPHS)
    counts = jax.ops.segment_sum(jnp.ones((a1.shape[0], 1), a1.dtype), batch, num_segments=N_GRAPHS)
    graph_embedding = sums / jnp.maximum(counts, 1.0)
    ic_predictions = graph_embedding @ Wf2 + bf2
    penalty = jnp.asarray(0.0, jnp.float32)
    return (graph_embedding, penalty, ic_predictions)

if __name__ == "__main__":
    import jax
    _d = setup_inputs()
    print(jax.jit(kernel)(*tuple(_d.values())))

</pallas_src>

<mosaic_0001>
#map = affine_map<(d0, d1) -> (0, 0, 0)>
#map1 = affine_map<(d0, d1) -> (0, 0)>
module attributes {stable_mosaic.version = 14 : i64} {
  func.func @_sc_degree(%arg0: i32, %arg1: i32, %arg2: memref<32x79x128xi32, #tpu.memory_space<hbm>>, %arg3: memref<128x16xf32, #tpu.memory_space<hbm>>, %arg4: memref<10240x16xf32, #tpu.memory_space<hbm>>, %arg5: memref<2x10240x16xf32, #tpu.memory_space<hbm>>, %arg6: memref<79x128xi32, #tpu.memory_space<vmem>>, %arg7: memref<128x16xf32, #tpu.memory_space<vmem>>, %arg8: memref<10240x16xf32, #tpu.memory_space<vmem_shared>>) attributes {dimension_semantics = [#tpu.dimension_semantics<core_parallel>, #tpu.dimension_semantics<subcore_parallel>], iteration_bounds = array<i64: 2, 16>, scalar_prefetch = 0 : i64, scratch_operands = 3 : i64, tpu.core_type = #tpu.core_type<sc_vector_subcore>, window_params = [{transform_indices = #map}, {transform_indices = #map1}, {transform_indices = #map1}, {transform_indices = #map}]} {
    %mul3A = arith.constant 2 : i32
    %mul3A_0 = arith.muli %arg1, %mul3A : i32
    %add3A = arith.addi %mul3A_0, %arg0 : i32
    "tpu.region"() ({
      %run_scoped3A = tpu.sem_alloc : memref<!tpu.dma_semaphore, #tpu.memory_space<semaphore_mem>>
      %dma_start3A = arith.constant 0 : i32
      %dma_start3A_15 = arith.constant 0 : i32
      %dma_start3A_16 = tpu.memref_slice %arg2[%add3A, %dma_start3A, %dma_start3A_15] : memref<32x79x128xi32, #tpu.memory_space<hbm>> -> memref<1x79x128xi32, #tpu.memory_space<hbm>>
      %dma_start3A_17 = tpu.memref_squeeze %dma_start3A_16 : memref<1x79x128xi32, #tpu.memory_space<hbm>> -> memref<79x128xi32, #tpu.memory_space<hbm>>
      %dma_start3A_18 = arith.constant 0 : i32
      %dma_start3A_19 = arith.constant 0 : i32
      %dma_start3A_20 = tpu.memref_slice %arg2[%add3A, %dma_start3A_18, %dma_start3A_19] : memref<32x79x128xi32, #tpu.memory_space<hbm>> -> memref<1x79x128xi32, #tpu.memory_space<hbm>>
      %dma_start3A_21 = tpu.memref_squeeze %dma_start3A_20 : memref<1x79x128xi32, #tpu.memory_space<hbm>> -> memref<79x128xi32, #tpu.memory_space<hbm>>
      tpu.enqueue_dma source(%dma_start3A_21 : memref<79x128xi32, #tpu.memory_space<hbm>>) target(%arg6 : memref<79x128xi32, #tpu.memory_space<vmem>>) target_semaphore(%run_scoped3A : memref<!tpu.dma_semaphore, #tpu.memory_space<semaphore_mem>>)
      %dma_wait3A = arith.constant 0 : i32
      %dma_wait3A_22 = arith.constant 0 : i32
      %dma_wait3A_23 = tpu.memref_slice %arg2[%add3A, %dma_wait3A, %dma_wait3A_22] : memref<32x79x128xi32, #tpu.memory_space<hbm>> -> memref<1x79x128xi32, #tpu.memory_space<hbm>>
      %dma_wait3A_24 = tpu.memref_squeeze %dma_wait3A_23 : memref<1x79x128xi32, #tpu.memory_space<hbm>> -> memref<79x128xi32, #tpu.memory_space<hbm>>
      %dma_wait3A_25 = arith.constant 0 : i32
      %dma_wait3A_26 = arith.constant 0 : i32
      %dma_wait3A_27 = tpu.memref_slice %arg2[%add3A, %dma_wait3A_25, %dma_wait3A_26] : memref<32x79x128xi32, #tpu.memory_space<hbm>> -> memref<1x79x128xi32, #tpu.memory_space<hbm>>
      %dma_wait3A_28 = tpu.memref_squeeze %dma_wait3A_27 : memref<1x79x128xi32, #tpu.memory_space<hbm>> -> memref<79x128xi32, #tpu.memory_space<hbm>>
      tpu.wait_dma2 semaphore(%run_scoped3A : memref<!tpu.dma_semaphore, #tpu.memory_space<semaphore_mem>>) src(%dma_wait3A_28 : memref<79x128xi32, #tpu.memory_space<hbm>>) dst(%arg6 : memref<79x128xi32, #tpu.memory_space<vmem>>)
      tpu.yield
    }) : () -> ()
    "tpu.region"() ({
      %run_scoped3A = tpu.sem_alloc : memref<!tpu.dma_semaphore, #tpu.memory_space<semaphore_mem>>
      tpu.enqueue_dma source(%arg3 : memref<128x16xf32, #tpu.memory_space<hbm>>) target(%arg7 : memref<128x16xf32, #tpu.memory_space<vmem>>) target_semaphore(%run_scoped3A : memref<!tpu.dma_semaphore, #tpu.memory_space<semaphore_mem>>)
      tpu.wait_dma2 semaphore(%run_scoped3A : memref<!tpu.dma_semaphore, #tpu.memory_space<semaphore_mem>>) src(%arg3 : memref<128x16xf32, #tpu.memory_space<hbm>>) dst(%arg7 : memref<128x16xf32, #tpu.memory_space<vmem>>)
      tpu.yield
    }) : () -> ()
    %mul3A_1 = arith.constant 640 : i32
    %mul3A_2 = arith.muli %arg1, %mul3A_1 : i32
    %mul3A_3 = arith.constant 640 : i32
    %mul3A_4 = arith.muli %arg1, %mul3A_3 : i32
    "tpu.region"() ({
      %run_scoped3A = tpu.sem_alloc : memref<!tpu.dma_semaphore, #tpu.memory_space<semaphore_mem>>
      %dma_start3A = arith.constant 0 : i32
      %dma_start3A_15 = tpu.memref_slice %arg8[%mul3A_4, %dma_start3A] : memref<10240x16xf32, #tpu.memory_space<vmem_shared>> -> memref<640x16xf32, #tpu.memory_space<vmem_shared>>
      %dma_start3A_16 = arith.constant 0 : i32
      %dma_start3A_17 = tpu.memref_slice %arg4[%mul3A_2, %dma_start3A_16] : memref<10240x16xf32, #tpu.memory_space<hbm>> -> memref<640x16xf32, #tpu.memory_space<hbm>>
      tpu.enqueue_dma source(%dma_start3A_17 : memref<640x16xf32, #tpu.memory_space<hbm>>) target(%dma_start3A_15 : memref<640x16xf32, #tpu.memory_space<vmem_shared>>) target_semaphore(%run_scoped3A : memref<!tpu.dma_semaphore, #tpu.memory_space<semaphore_mem>>)
      %dma_wait3A = arith.constant 0 : i32
      %dma_wait3A_18 = tpu.memref_slice %arg8[%mul3A_4, %dma_wait3A] : memref<10240x16xf32, #tpu.memory_space<vmem_shared>> -> memref<640x16xf32, #tpu.memory_space<vmem_shared>>
      %dma_wait3A_19 = arith.constant 0 : i32
      %dma_wait3A_20 = tpu.memref_slice %arg4[%mul3A_2, %dma_wait3A_19] : memref<10240x16xf32, #tpu.memory_space<hbm>> -> memref<640x16xf32, #tpu.memory_space<hbm>>
      tpu.wait_dma2 semaphore(%run_scoped3A : memref<!tpu.dma_semaphore, #tpu.memory_space<semaphore_mem>>) src(%dma_wait3A_20 : memref<640x16xf32, #tpu.memory_space<hbm>>) dst(%dma_wait3A_18 : memref<640x16xf32, #tpu.memory_space<vmem_shared>>)
      tpu.yield
    }) : () -> ()
    %barrier3A = arith.constant 0 : index
    tpu.barrier barrier_id(%barrier3A)
    %scan3A = arith.constant 0 : i32
    %scan3A_5 = arith.constant 0 : i32
    %scan3A_6 = arith.constant 79 : i32
    %scan3A_7 = arith.addi %scan3A_5, %scan3A_6 : i32
    %scan3A_8 = arith.constant 1 : i32
    scf.for %scan3A_15 = %scan3A_5 to %scan3A_7 step %scan3A_8  : i32 {
      "tpu.region"() ({
        %run_scoped3A = tpu.sem_alloc : memref<!tpu.dma_semaphore, #tpu.memory_space<semaphore_mem>>
        %dma_start3A = arith.constant 0 : i32
        %dma_start3A_16 = tpu.memref_slice %arg6[%scan3A_15, %dma_start3A] : memref<79x128xi32, #tpu.memory_space<vmem>> -> memref<1x128xi32, #tpu.memory_space<vmem>>
        %dma_start3A_17 = tpu.memref_squeeze %dma_start3A_16 : memref<1x128xi32, #tpu.memory_space<vmem>> -> memref<128xi32, #tpu.memory_space<vmem>>
        %dma_start3A_18 = arith.constant 0 : i32
        %dma_start3A_19 = arith.constant 0 : i32
        %dma_start3A_20 = tpu.memref_slice %arg8[%dma_start3A_18, %dma_start3A_19] : memref<10240x16xf32, #tpu.memory_space<vmem_shared>> -> memref<10240x16xf32, #tpu.memory_space<vmem_shared>>
        tpu.enqueue_indirect_dma source(%arg7 : memref<128x16xf32, #tpu.memory_space<vmem>>) target(%dma_start3A_20 : memref<10240x16xf32, #tpu.memory_space<vmem_shared>>) offsets(%dma_start3A_17 : memref<128xi32, #tpu.memory_space<vmem>>) semaphore(%run_scoped3A : memref<!tpu.dma_semaphore, #tpu.memory_space<semaphore_mem>>) {add = true}
        %dma_wait3A = arith.constant 0 : i32
        %dma_wait3A_21 = tpu.memref_slice %arg6[%scan3A_15, %dma_wait3A] : memref<79x128xi32, #tpu.memory_space<vmem>> -> memref<1x128xi32, #tpu.memory_space<vmem>>
        %dma_wait3A_22 = tpu.memref_squeeze %dma_wait3A_21 : memref<1x128xi32, #tpu.memory_space<vmem>> -> memref<128xi32, #tpu.memory_space<vmem>>
        %dma_wait3A_23 = arith.constant 0 : i32
        %dma_wait3A_24 = arith.constant 0 : i32
        %dma_wait3A_25 = tpu.memref_slice %arg8[%dma_wait3A_23, %dma_wait3A_24] : memref<10240x16xf32, #tpu.memory_space<vmem_shared>> -> memref<10240x16xf32, #tpu.memory_space<vmem_shared>>
        tpu.wait_indirect_dma semaphore(%run_scoped3A : memref<!tpu.dma_semaphore, #tpu.memory_space<semaphore_mem>>) src(%arg7 : memref<128x16xf32, #tpu.memory_space<vmem>>) dst(%dma_wait3A_25 : memref<10240x16xf32, #tpu.memory_space<vmem_shared>>)
        tpu.yield
      }) : () -> ()
    }
    %scan3A_9 = arith.constant 79 : i32
    %barrier3A_10 = arith.constant 0 : index
    tpu.barrier barrier_id(%barrier3A_10)
    %mul3A_11 = arith.constant 640 : i32
    %mul3A_12 = arith.muli %arg1, %mul3A_11 : i32
    %mul3A_13 = arith.constant 640 : i32
    %mul3A_14 = arith.muli %arg1, %mul3A_13 : i32
    "tpu.region"() ({
      %run_scoped3A = tpu.sem_alloc : memref<!tpu.dma_semaphore, #tpu.memory_space<semaphore_mem>>
      %dma_start3A = arith.constant 0 : i32
      %dma_start3A_15 = tpu.memref_slice %arg5[%arg0, %mul3A_14, %dma_start3A] : memref<2x10240x16xf32, #tpu.memory_space<hbm>> -> memref<1x640x16xf32, #tpu.memory_space<hbm>>
      %dma_start3A_16 = tpu.memref_squeeze %dma_start3A_15 : memref<1x640x16xf32, #tpu.memory_space<hbm>> -> memref<640x16xf32, #tpu.memory_space<hbm>>
      %dma_start3A_17 = arith.constant 0 : i32
      %dma_start3A_18 = tpu.memref_slice %arg8[%mul3A_12, %dma_start3A_17] : memref<10240x16xf32, #tpu.memory_space<vmem_shared>> -> memref<640x16xf32, #tpu.memory_space<vmem_shared>>
      tpu.enqueue_dma source(%dma_start3A_18 : memref<640x16xf32, #tpu.memory_space<vmem_shared>>) target(%dma_start3A_16 : memref<640x16xf32, #tpu.memory_space<hbm>>) target_semaphore(%run_scoped3A : memref<!tpu.dma_semaphore, #tpu.memory_space<semaphore_mem>>)
      %dma_wait3A = arith.constant 0 : i32
      %dma_wait3A_19 = tpu.memref_slice %arg5[%arg0, %mul3A_14, %dma_wait3A] : memref<2x10240x16xf32, #tpu.memory_space<hbm>> -> memref<1x640x16xf32, #tpu.memory_space<hbm>>
      %dma_wait3A_20 = tpu.memref_squeeze %dma_wait3A_19 : memref<1x640x16xf32, #tpu.memory_space<hbm>> -> memref<640x16xf32, #tpu.memory_space<hbm>>
      %dma_wait3A_21 = arith.constant 0 : i32
      %dma_wait3A_22 = tpu.memref_slice %arg8[%mul3A_12, %dma_wait3A_21] : memref<10240x16xf32, #tpu.memory_space<vmem_shared>> -> memref<640x16xf32, #tpu.memory_space<vmem_shared>>
      tpu.wait_dma2 semaphore(%run_scoped3A : memref<!tpu.dma_semaphore, #tpu.memory_space<semaphore_mem>>) src(%dma_wait3A_22 : memref<640x16xf32, #tpu.memory_space<vmem_shared>>) dst(%dma_wait3A_20 : memref<640x16xf32, #tpu.memory_space<hbm>>)
      tpu.yield
    }) : () -> ()
    return
  }
}

#map = affine_map<(d0, d1) -> (0, 0)>
#map1 = affine_map<(d0, d1) -> (0, 0, 0)>
module attributes {stable_mosaic.version = 14 : i64} {
  func.func @_sc_agg(%arg0: i32, %arg1: i32, %arg2: memref<10000x64xf32, #tpu.memory_space<hbm>>, %arg3: memref<32x79x128xi32, #tpu.memory_space<hbm>>, %arg4: memref<32x79x128xi32, #tpu.memory_space<hbm>>, %arg5: memref<10240x64xf32, #tpu.memory_space<hbm>>, %arg6: memref<2x10240x64xf32, #tpu.memory_space<hbm>>, %arg7: memref<79x128xi32, #tpu.memory_space<vmem>>, %arg8: memref<79x128xi32, #tpu.memory_space<vmem>>, %arg9: memref<128x64xf32, #tpu.memory_space<vmem>>, %arg10: memref<10240x64xf32, #tpu.memory_space<vmem_shared>>, %arg11: memref<!tpu.dma_semaphore, #tpu.memory_space<semaphore_mem>>) attributes {dimension_semantics = [#tpu.dimension_semantics<core_parallel>, #tpu.dimension_semantics<subcore_parallel>], iteration_bounds = array<i64: 2, 16>, scalar_prefetch = 0 : i64, scratch_operands = 5 : i64, tpu.core_type = #tpu.core_type<sc_vector_subcore>, window_params = [{transform_indices = #map}, {transform_indices = #map1}, {transform_indices = #map1}, {transform_indices = #map}, {transform_indices = #map1}]} {
    %mul3A = arith.constant 2 : i32
    %mul3A_0 = arith.muli %arg1, %mul3A : i32
    %add3A = arith.addi %mul3A_0, %arg0 : i32
    "tpu.region"() ({
      %run_scoped3A = tpu.sem_alloc : memref<!tpu.dma_semaphore, #tpu.memory_space<semaphore_mem>>
      %dma_start3A = arith.constant 0 : i32
      %dma_start3A_15 = arith.constant 0 : i32
      %dma_start3A_16 = tpu.memref_slice %arg3[%add3A, %dma_start3A, %dma_start3A_15] : memref<32x79x128xi32, #tpu.memory_space<hbm>> -> memref<1x79x128xi32, #tpu.memory_space<hbm>>
      %dma_start3A_17 = tpu.memref_squeeze %dma_start3A_16 : memref<1x79x128xi32, #tpu.memory_space<hbm>> -> memref<79x128xi32, #tpu.memory_space<hbm>>
      %dma_start3A_18 = arith.constant 0 : i32
      %dma_start3A_19 = arith.constant 0 : i32
      %dma_start3A_20 = tpu.memref_slice %arg3[%add3A, %dma_start3A_18, %dma_start3A_19] : memref<32x79x128xi32, #tpu.memory_space<hbm>> -> memref<1x79x128xi32, #tpu.memory_space<hbm>>
      %dma_start3A_21 = tpu.memref_squeeze %dma_start3A_20 : memref<1x79x128xi32, #tpu.memory_space<hbm>> -> memref<79x128xi32, #tpu.memory_space<hbm>>
      tpu.enqueue_dma source(%dma_start3A_21 : memref<79x128xi32, #tpu.memory_space<hbm>>) target(%arg7 : memref<79x128xi32, #tpu.memory_space<vmem>>) target_semaphore(%run_scoped3A : memref<!tpu.dma_semaphore, #tpu.memory_space<semaphore_mem>>)
      %dma_wait3A = arith.constant 0 : i32
      %dma_wait3A_22 = arith.constant 0 : i32
      %dma_wait3A_23 = tpu.memref_slice %arg3[%add3A, %dma_wait3A, %dma_wait3A_22] : memref<32x79x128xi32, #tpu.memory_space<hbm>> -> memref<1x79x128xi32, #tpu.memory_space<hbm>>
      %dma_wait3A_24 = tpu.memref_squeeze %dma_wait3A_23 : memref<1x79x128xi32, #tpu.memory_space<hbm>> -> memref<79x128xi32, #tpu.memory_space<hbm>>
      %dma_wait3A_25 = arith.constant 0 : i32
      %dma_wait3A_26 = arith.constant 0 : i32
      %dma_wait3A_27 = tpu.memref_slice %arg3[%add3A, %dma_wait3A_25, %dma_wait3A_26] : memref<32x79x128xi32, #tpu.memory_space<hbm>> -> memref<1x79x128xi32, #tpu.memory_space<hbm>>
      %dma_wait3A_28 = tpu.memref_squeeze %dma_wait3A_27 : memref<1x79x128xi32, #tpu.memory_space<hbm>> -> memref<79x128xi32, #tpu.memory_space<hbm>>
      tpu.wait_dma2 semaphore(%run_scoped3A : memref<!tpu.dma_semaphore, #tpu.memory_space<semaphore_mem>>) src(%dma_wait3A_28 : memref<79x128xi32, #tpu.memory_space<hbm>>) dst(%arg7 : memref<79x128xi32, #tpu.memory_space<vmem>>)
      tpu.yield
    }) : () -> ()
    "tpu.region"() ({
      %run_scoped3A = tpu.sem_alloc : memref<!tpu.dma_semaphore, #tpu.memory_space<semaphore_mem>>
      %dma_start3A = arith.constant 0 : i32
      %dma_start3A_15 = arith.constant 0 : i32
      %dma_start3A_16 = tpu.memref_slice %arg4[%add3A, %dma_start3A, %dma_start3A_15] : memref<32x79x128xi32, #tpu.memory_space<hbm>> -> memref<1x79x128xi32, #tpu.memory_space<hbm>>
      %dma_start3A_17 = tpu.memref_squeeze %dma_start3A_16 : memref<1x79x128xi32, #tpu.memory_space<hbm>> -> memref<79x128xi32, #tpu.memory_space<hbm>>
      %dma_start3A_18 = arith.constant 0 : i32
      %dma_start3A_19 = arith.constant 0 : i32
      %dma_start3A_20 = tpu.memref_slice %arg4[%add3A, %dma_start3A_18, %dma_start3A_19] : memref<32x79x128xi32, #tpu.memory_space<hbm>> -> memref<1x79x128xi32, #tpu.memory_space<hbm>>
      %dma_start3A_21 = tpu.memref_squeeze %dma_start3A_20 : memref<1x79x128xi32, #tpu.memory_space<hbm>> -> memref<79x128xi32, #tpu.memory_space<hbm>>
      tpu.enqueue_dma source(%dma_start3A_21 : memref<79x128xi32, #tpu.memory_space<hbm>>) target(%arg8 : memref<79x128xi32, #tpu.memory_space<vmem>>) target_semaphore(%run_scoped3A : memref<!tpu.dma_semaphore, #tpu.memory_space<semaphore_mem>>)
      %dma_wait3A = arith.constant 0 : i32
      %dma_wait3A_22 = arith.constant 0 : i32
      %dma_wait3A_23 = tpu.memref_slice %arg4[%add3A, %dma_wait3A, %dma_wait3A_22] : memref<32x79x128xi32, #tpu.memory_space<hbm>> -> memref<1x79x128xi32, #tpu.memory_space<hbm>>
      %dma_wait3A_24 = tpu.memref_squeeze %dma_wait3A_23 : memref<1x79x128xi32, #tpu.memory_space<hbm>> -> memref<79x128xi32, #tpu.memory_space<hbm>>
      %dma_wait3A_25 = arith.constant 0 : i32
      %dma_wait3A_26 = arith.constant 0 : i32
      %dma_wait3A_27 = tpu.memref_slice %arg4[%add3A, %dma_wait3A_25, %dma_wait3A_26] : memref<32x79x128xi32, #tpu.memory_space<hbm>> -> memref<1x79x128xi32, #tpu.memory_space<hbm>>
      %dma_wait3A_28 = tpu.memref_squeeze %dma_wait3A_27 : memref<1x79x128xi32, #tpu.memory_space<hbm>> -> memref<79x128xi32, #tpu.memory_space<hbm>>
      tpu.wait_dma2 semaphore(%run_scoped3A : memref<!tpu.dma_semaphore, #tpu.memory_space<semaphore_mem>>) src(%dma_wait3A_28 : memref<79x128xi32, #tpu.memory_space<hbm>>) dst(%arg8 : memref<79x128xi32, #tpu.memory_space<vmem>>)
      tpu.yield
    }) : () -> ()
    %mul3A_1 = arith.constant 640 : i32
    %mul3A_2 = arith.muli %arg1, %mul3A_1 : i32
    %mul3A_3 = arith.constant 640 : i32
    %mul3A_4 = arith.muli %arg1, %mul3A_3 : i32
    "tpu.region"() ({
      %run_scoped3A = tpu.sem_alloc : memref<!tpu.dma_semaphore, #tpu.memory_space<semaphore_mem>>
      %dma_start3A = arith.constant 0 : i32
      %dma_start3A_15 = tpu.memref_slice %arg10[%mul3A_4, %dma_start3A] : memref<10240x64xf32, #tpu.memory_space<vmem_shared>> -> memref<640x64xf32, #tpu.memory_space<vmem_shared>>
      %dma_start3A_16 = arith.constant 0 : i32
      %dma_start3A_17 = tpu.memref_slice %arg5[%mul3A_2, %dma_start3A_16] : memref<10240x64xf32, #tpu.memory_space<hbm>> -> memref<640x64xf32, #tpu.memory_space<hbm>>
      tpu.enqueue_dma source(%dma_start3A_17 : memref<640x64xf32, #tpu.memory_space<hbm>>) target(%dma_start3A_15 : memref<640x64xf32, #tpu.memory_space<vmem_shared>>) target_semaphore(%run_scoped3A : memref<!tpu.dma_semaphore, #tpu.memory_space<semaphore_mem>>)
      %dma_wait3A = arith.constant 0 : i32
      %dma_wait3A_18 = tpu.memref_slice %arg10[%mul3A_4, %dma_wait3A] : memref<10240x64xf32, #tpu.memory_space<vmem_shared>> -> memref<640x64xf32, #tpu.memory_space<vmem_shared>>
      %dma_wait3A_19 = arith.constant 0 : i32
      %dma_wait3A_20 = tpu.memref_slice %arg5[%mul3A_2, %dma_wait3A_19] : memref<10240x64xf32, #tpu.memory_space<hbm>> -> memref<640x64xf32, #tpu.memory_space<hbm>>
      tpu.wait_dma2 semaphore(%run_scoped3A : memref<!tpu.dma_semaphore, #tpu.memory_space<semaphore_mem>>) src(%dma_wait3A_20 : memref<640x64xf32, #tpu.memory_space<hbm>>) dst(%dma_wait3A_18 : memref<640x64xf32, #tpu.memory_space<vmem_shared>>)
      tpu.yield
    }) : () -> ()
    %barrier3A = arith.constant 0 : index
    tpu.barrier barrier_id(%barrier3A)
    %scan3A = arith.constant 0 : i32
    %scan3A_5 = arith.constant 0 : i32
    %scan3A_6 = arith.constant 79 : i32
    %scan3A_7 = arith.addi %scan3A_5, %scan3A_6 : i32
    %scan3A_8 = arith.constant 1 : i32
    scf.for %scan3A_15 = %scan3A_5 to %scan3A_7 step %scan3A_8  : i32 {
      %dma_start3A = arith.constant 0 : i32
      %dma_start3A_16 = tpu.memref_slice %arg7[%scan3A_15, %dma_start3A] : memref<79x128xi32, #tpu.memory_space<vmem>> -> memref<1x128xi32, #tpu.memory_space<vmem>>
      %dma_start3A_17 = tpu.memref_squeeze %dma_start3A_16 : memref<1x128xi32, #tpu.memory_space<vmem>> -> memref<128xi32, #tpu.memory_space<vmem>>
      %dma_start3A_18 = arith.constant 0 : i32
      %dma_start3A_19 = arith.constant 0 : i32
      %dma_start3A_20 = tpu.memref_slice %arg2[%dma_start3A_18, %dma_start3A_19] : memref<10000x64xf32, #tpu.memory_space<hbm>> -> memref<10000x64xf32, #tpu.memory_space<hbm>>
      tpu.enqueue_indirect_dma source(%dma_start3A_20 : memref<10000x64xf32, #tpu.memory_space<hbm>>) target(%arg9 : memref<128x64xf32, #tpu.memory_space<vmem>>) offsets(%dma_start3A_17 : memref<128xi32, #tpu.memory_space<vmem>>) semaphore(%arg11 : memref<!tpu.dma_semaphore, #tpu.memory_space<semaphore_mem>>)
      %dma_wait3A = arith.constant 0 : i32
      %dma_wait3A_21 = tpu.memref_slice %arg7[%scan3A_15, %dma_wait3A] : memref<79x128xi32, #tpu.memory_space<vmem>> -> memref<1x128xi32, #tpu.memory_space<vmem>>
      %dma_wait3A_22 = tpu.memref_squeeze %dma_wait3A_21 : memref<1x128xi32, #tpu.memory_space<vmem>> -> memref<128xi32, #tpu.memory_space<vmem>>
      %dma_wait3A_23 = arith.constant 0 : i32
      %dma_wait3A_24 = arith.constant 0 : i32
      %dma_wait3A_25 = tpu.memref_slice %arg2[%dma_wait3A_23, %dma_wait3A_24] : memref<10000x64xf32, #tpu.memory_space<hbm>> -> memref<10000x64xf32, #tpu.memory_space<hbm>>
      tpu.wait_indirect_dma semaphore(%arg11 : memref<!tpu.dma_semaphore, #tpu.memory_space<semaphore_mem>>) src(%dma_wait3A_25 : memref<10000x64xf32, #tpu.memory_space<hbm>>) dst(%arg9 : memref<128x64xf32, #tpu.memory_space<vmem>>)
      "tpu.region"() ({
        %run_scoped3A = tpu.sem_alloc : memref<!tpu.dma_semaphore, #tpu.memory_space<semaphore_mem>>
        %dma_start3A_26 = arith.constant 0 : i32
        %dma_start3A_27 = tpu.memref_slice %arg8[%scan3A_15, %dma_start3A_26] : memref<79x128xi32, #tpu.memory_space<vmem>> -> memref<1x128xi32, #tpu.memory_space<vmem>>
        %dma_start3A_28 = tpu.memref_squeeze %dma_start3A_27 : memref<1x128xi32, #tpu.memory_space<vmem>> -> memref<128xi32, #tpu.memory_space<vmem>>
        %dma_start3A_29 = arith.constant 0 : i32
        %dma_start3A_30 = arith.constant 0 : i32
        %dma_start3A_31 = tpu.memref_slice %arg10[%dma_start3A_29, %dma_start3A_30] : memref<10240x64xf32, #tpu.memory_space<vmem_shared>> -> memref<10240x64xf32, #tpu.memory_space<vmem_shared>>
        tpu.enqueue_indirect_dma source(%arg9 : memref<128x64xf32, #tpu.memory_space<vmem>>) target(%dma_start3A_31 : memref<10240x64xf32, #tpu.memory_space<vmem_shared>>) offsets(%dma_start3A_28 : memref<128xi32, #tpu.memory_space<vmem>>) semaphore(%run_scoped3A : memref<!tpu.dma_semaphore, #tpu.memory_space<semaphore_mem>>) {add = true}
        %dma_wait3A_32 = arith.constant 0 : i32
        %dma_wait3A_33 = tpu.memref_slice %arg8[%scan3A_15, %dma_wait3A_32] : memref<79x128xi32, #tpu.memory_space<vmem>> -> memref<1x128xi32, #tpu.memory_space<vmem>>
        %dma_wait3A_34 = tpu.memref_squeeze %dma_wait3A_33 : memref<1x128xi32, #tpu.memory_space<vmem>> -> memref<128xi32, #tpu.memory_space<vmem>>
        %dma_wait3A_35 = arith.constant 0 : i32
        %dma_wait3A_36 = arith.constant 0 : i32
        %dma_wait3A_37 = tpu.memref_slice %arg10[%dma_wait3A_35, %dma_wait3A_36] : memref<10240x64xf32, #tpu.memory_space<vmem_shared>> -> memref<10240x64xf32, #tpu.memory_space<vmem_shared>>
        tpu.wait_indirect_dma semaphore(%run_scoped3A : memref<!tpu.dma_semaphore, #tpu.memory_space<semaphore_mem>>) src(%arg9 : memref<128x64xf32, #tpu.memory_space<vmem>>) dst(%dma_wait3A_37 : memref<10240x64xf32, #tpu.memory_space<vmem_shared>>)
        tpu.yield
      }) : () -> ()
    }
    %scan3A_9 = arith.constant 79 : i32
    %barrier3A_10 = arith.constant 0 : index
    tpu.barrier barrier_id(%barrier3A_10)
    %mul3A_11 = arith.constant 640 : i32
    %mul3A_12 = arith.muli %arg1, %mul3A_11 : i32
    %mul3A_13 = arith.constant 640 : i32
    %mul3A_14 = arith.muli %arg1, %mul3A_13 : i32
    "tpu.region"() ({
      %run_scoped3A = tpu.sem_alloc : memref<!tpu.dma_semaphore, #tpu.memory_space<semaphore_mem>>
      %dma_start3A = arith.constant 0 : i32
      %dma_start3A_15 = tpu.memref_slice %arg6[%arg0, %mul3A_14, %dma_start3A] : memref<2x10240x64xf32, #tpu.memory_space<hbm>> -> memref<1x640x64xf32, #tpu.memory_space<hbm>>
      %dma_start3A_16 = tpu.memref_squeeze %dma_start3A_15 : memref<1x640x64xf32, #tpu.memory_space<hbm>> -> memref<640x64xf32, #tpu.memory_space<hbm>>
      %dma_start3A_17 = arith.constant 0 : i32
      %dma_start3A_18 = tpu.memref_slice %arg10[%mul3A_12, %dma_start3A_17] : memref<10240x64xf32, #tpu.memory_space<vmem_shared>> -> memref<640x64xf32, #tpu.memory_space<vmem_shared>>
      tpu.enqueue_dma source(%dma_start3A_18 : memref<640x64xf32, #tpu.memory_space<vmem_shared>>) target(%dma_start3A_16 : memref<640x64xf32, #tpu.memory_space<hbm>>) target_semaphore(%run_scoped3A : memref<!tpu.dma_semaphore, #tpu.memory_space<semaphore_mem>>)
      %dma_wait3A = arith.constant 0 : i32
      %dma_wait3A_19 = tpu.memref_slice %arg6[%arg0, %mul3A_14, %dma_wait3A] : memref<2x10240x64xf32, #tpu.memory_space<hbm>> -> memref<1x640x64xf32, #tpu.memory_space<hbm>>
      %dma_wait3A_20 = tpu.memref_squeeze %dma_wait3A_19 : memref<1x640x64xf32, #tpu.memory_space<hbm>> -> memref<640x64xf32, #tpu.memory_space<hbm>>
      %dma_wait3A_21 = arith.constant 0 : i32
      %dma_wait3A_22 = tpu.memref_slice %arg10[%mul3A_12, %dma_wait3A_21] : memref<10240x64xf32, #tpu.memory_space<vmem_shared>> -> memref<640x64xf32, #tpu.memory_space<vmem_shared>>
      tpu.wait_dma2 semaphore(%run_scoped3A : memref<!tpu.dma_semaphore, #tpu.memory_space<semaphore_mem>>) src(%dma_wait3A_22 : memref<640x64xf32, #tpu.memory_space<vmem_shared>>) dst(%dma_wait3A_20 : memref<640x64xf32, #tpu.memory_space<hbm>>)
      tpu.yield
    }) : () -> ()
    return
  }
}

#map = affine_map<(d0, d1) -> (0, 0)>
#map1 = affine_map<(d0, d1) -> (0, 0, 0)>
module attributes {stable_mosaic.version = 14 : i64} {
  func.func @_sc_agg(%arg0: i32, %arg1: i32, %arg2: memref<10000x64xf32, #tpu.memory_space<hbm>>, %arg3: memref<32x79x128xi32, #tpu.memory_space<hbm>>, %arg4: memref<32x79x128xi32, #tpu.memory_space<hbm>>, %arg5: memref<10240x64xf32, #tpu.memory_space<hbm>>, %arg6: memref<2x10240x64xf32, #tpu.memory_space<hbm>>, %arg7: memref<79x128xi32, #tpu.memory_space<vmem>>, %arg8: memref<79x128xi32, #tpu.memory_space<vmem>>, %arg9: memref<128x64xf32, #tpu.memory_space<vmem>>, %arg10: memref<10240x64xf32, #tpu.memory_space<vmem_shared>>, %arg11: memref<!tpu.dma_semaphore, #tpu.memory_space<semaphore_mem>>) attributes {dimension_semantics = [#tpu.dimension_semantics<core_parallel>, #tpu.dimension_semantics<subcore_parallel>], iteration_bounds = array<i64: 2, 16>, scalar_prefetch = 0 : i64, scratch_operands = 5 : i64, tpu.core_type = #tpu.core_type<sc_vector_subcore>, window_params = [{transform_indices = #map}, {transform_indices = #map1}, {transform_indices = #map1}, {transform_indices = #map}, {transform_indices = #map1}]} {
    %mul3A = arith.constant 2 : i32
    %mul3A_0 = arith.muli %arg1, %mul3A : i32
    %add3A = arith.addi %mul3A_0, %arg0 : i32
    "tpu.region"() ({
      %run_scoped3A = tpu.sem_alloc : memref<!tpu.dma_semaphore, #tpu.memory_space<semaphore_mem>>
      %dma_start3A = arith.constant 0 : i32
      %dma_start3A_15 = arith.constant 0 : i32
      %dma_start3A_16 = tpu.memref_slice %arg3[%add3A, %dma_start3A, %dma_start3A_15] : memref<32x79x128xi32, #tpu.memory_space<hbm>> -> memref<1x79x128xi32, #tpu.memory_space<hbm>>
      %dma_start3A_17 = tpu.memref_squeeze %dma_start3A_16 : memref<1x79x128xi32, #tpu.memory_space<hbm>> -> memref<79x128xi32, #tpu.memory_space<hbm>>
      %dma_start3A_18 = arith.constant 0 : i32
      %dma_start3A_19 = arith.constant 0 : i32
      %dma_start3A_20 = tpu.memref_slice %arg3[%add3A, %dma_start3A_18, %dma_start3A_19] : memref<32x79x128xi32, #tpu.memory_space<hbm>> -> memref<1x79x128xi32, #tpu.memory_space<hbm>>
      %dma_start3A_21 = tpu.memref_squeeze %dma_start3A_20 : memref<1x79x128xi32, #tpu.memory_space<hbm>> -> memref<79x128xi32, #tpu.memory_space<hbm>>
      tpu.enqueue_dma source(%dma_start3A_21 : memref<79x128xi32, #tpu.memory_space<hbm>>) target(%arg7 : memref<79x128xi32, #tpu.memory_space<vmem>>) target_semaphore(%run_scoped3A : memref<!tpu.dma_semaphore, #tpu.memory_space<semaphore_mem>>)
      %dma_wait3A = arith.constant 0 : i32
      %dma_wait3A_22 = arith.constant 0 : i32
      %dma_wait3A_23 = tpu.memref_slice %arg3[%add3A, %dma_wait3A, %dma_wait3A_22] : memref<32x79x128xi32, #tpu.memory_space<hbm>> -> memref<1x79x128xi32, #tpu.memory_space<hbm>>
      %dma_wait3A_24 = tpu.memref_squeeze %dma_wait3A_23 : memref<1x79x128xi32, #tpu.memory_space<hbm>> -> memref<79x128xi32, #tpu.memory_space<hbm>>
      %dma_wait3A_25 = arith.constant 0 : i32
      %dma_wait3A_26 = arith.constant 0 : i32
      %dma_wait3A_27 = tpu.memref_slice %arg3[%add3A, %dma_wait3A_25, %dma_wait3A_26] : memref<32x79x128xi32, #tpu.memory_space<hbm>> -> memref<1x79x128xi32, #tpu.memory_space<hbm>>
      %dma_wait3A_28 = tpu.memref_squeeze %dma_wait3A_27 : memref<1x79x128xi32, #tpu.memory_space<hbm>> -> memref<79x128xi32, #tpu.memory_space<hbm>>
      tpu.wait_dma2 semaphore(%run_scoped3A : memref<!tpu.dma_semaphore, #tpu.memory_space<semaphore_mem>>) src(%dma_wait3A_28 : memref<79x128xi32, #tpu.memory_space<hbm>>) dst(%arg7 : memref<79x128xi32, #tpu.memory_space<vmem>>)
      tpu.yield
    }) : () -> ()
    "tpu.region"() ({
      %run_scoped3A = tpu.sem_alloc : memref<!tpu.dma_semaphore, #tpu.memory_space<semaphore_mem>>
      %dma_start3A = arith.constant 0 : i32
      %dma_start3A_15 = arith.constant 0 : i32
      %dma_start3A_16 = tpu.memref_slice %arg4[%add3A, %dma_start3A, %dma_start3A_15] : memref<32x79x128xi32, #tpu.memory_space<hbm>> -> memref<1x79x128xi32, #tpu.memory_space<hbm>>
      %dma_start3A_17 = tpu.memref_squeeze %dma_start3A_16 : memref<1x79x128xi32, #tpu.memory_space<hbm>> -> memref<79x128xi32, #tpu.memory_space<hbm>>
      %dma_start3A_18 = arith.constant 0 : i32
      %dma_start3A_19 = arith.constant 0 : i32
      %dma_start3A_20 = tpu.memref_slice %arg4[%add3A, %dma_start3A_18, %dma_start3A_19] : memref<32x79x128xi32, #tpu.memory_space<hbm>> -> memref<1x79x128xi32, #tpu.memory_space<hbm>>
      %dma_start3A_21 = tpu.memref_squeeze %dma_start3A_20 : memref<1x79x128xi32, #tpu.memory_space<hbm>> -> memref<79x128xi32, #tpu.memory_space<hbm>>
      tpu.enqueue_dma source(%dma_start3A_21 : memref<79x128xi32, #tpu.memory_space<hbm>>) target(%arg8 : memref<79x128xi32, #tpu.memory_space<vmem>>) target_semaphore(%run_scoped3A : memref<!tpu.dma_semaphore, #tpu.memory_space<semaphore_mem>>)
      %dma_wait3A = arith.constant 0 : i32
      %dma_wait3A_22 = arith.constant 0 : i32
      %dma_wait3A_23 = tpu.memref_slice %arg4[%add3A, %dma_wait3A, %dma_wait3A_22] : memref<32x79x128xi32, #tpu.memory_space<hbm>> -> memref<1x79x128xi32, #tpu.memory_space<hbm>>
      %dma_wait3A_24 = tpu.memref_squeeze %dma_wait3A_23 : memref<1x79x128xi32, #tpu.memory_space<hbm>> -> memref<79x128xi32, #tpu.memory_space<hbm>>
      %dma_wait3A_25 = arith.constant 0 : i32
      %dma_wait3A_26 = arith.constant 0 : i32
      %dma_wait3A_27 = tpu.memref_slice %arg4[%add3A, %dma_wait3A_25, %dma_wait3A_26] : memref<32x79x128xi32, #tpu.memory_space<hbm>> -> memref<1x79x128xi32, #tpu.memory_space<hbm>>
      %dma_wait3A_28 = tpu.memref_squeeze %dma_wait3A_27 : memref<1x79x128xi32, #tpu.memory_space<hbm>> -> memref<79x128xi32, #tpu.memory_space<hbm>>
      tpu.wait_dma2 semaphore(%run_scoped3A : memref<!tpu.dma_semaphore, #tpu.memory_space<semaphore_mem>>) src(%dma_wait3A_28 : memref<79x128xi32, #tpu.memory_space<hbm>>) dst(%arg8 : memref<79x128xi32, #tpu.memory_space<vmem>>)
      tpu.yield
    }) : () -> ()
    %mul3A_1 = arith.constant 640 : i32
    %mul3A_2 = arith.muli %arg1, %mul3A_1 : i32
    %mul3A_3 = arith.constant 640 : i32
    %mul3A_4 = arith.muli %arg1, %mul3A_3 : i32
    "tpu.region"() ({
      %run_scoped3A = tpu.sem_alloc : memref<!tpu.dma_semaphore, #tpu.memory_space<semaphore_mem>>
      %dma_start3A = arith.constant 0 : i32
      %dma_start3A_15 = tpu.memref_slice %arg10[%mul3A_4, %dma_start3A] : memref<10240x64xf32, #tpu.memory_space<vmem_shared>> -> memref<640x64xf32, #tpu.memory_space<vmem_shared>>
      %dma_start3A_16 = arith.constant 0 : i32
      %dma_start3A_17 = tpu.memref_slice %arg5[%mul3A_2, %dma_start3A_16] : memref<10240x64xf32, #tpu.memory_space<hbm>> -> memref<640x64xf32, #tpu.memory_space<hbm>>
      tpu.enqueue_dma source(%dma_start3A_17 : memref<640x64xf32, #tpu.memory_space<hbm>>) target(%dma_start3A_15 : memref<640x64xf32, #tpu.memory_space<vmem_shared>>) target_semaphore(%run_scoped3A : memref<!tpu.dma_semaphore, #tpu.memory_space<semaphore_mem>>)
      %dma_wait3A = arith.constant 0 : i32
      %dma_wait3A_18 = tpu.memref_slice %arg10[%mul3A_4, %dma_wait3A] : memref<10240x64xf32, #tpu.memory_space<vmem_shared>> -> memref<640x64xf32, #tpu.memory_space<vmem_shared>>
      %dma_wait3A_19 = arith.constant 0 : i32
      %dma_wait3A_20 = tpu.memref_slice %arg5[%mul3A_2, %dma_wait3A_19] : memref<10240x64xf32, #tpu.memory_space<hbm>> -> memref<640x64xf32, #tpu.memory_space<hbm>>
      tpu.wait_dma2 semaphore(%run_scoped3A : memref<!tpu.dma_semaphore, #tpu.memory_space<semaphore_mem>>) src(%dma_wait3A_20 : memref<640x64xf32, #tpu.memory_space<hbm>>) dst(%dma_wait3A_18 : memref<640x64xf32, #tpu.memory_space<vmem_shared>>)
      tpu.yield
    }) : () -> ()
    %barrier3A = arith.constant 0 : index
    tpu.barrier barrier_id(%barrier3A)
    %scan3A = arith.constant 0 : i32
    %scan3A_5 = arith.constant 0 : i32
    %scan3A_6 = arith.constant 79 : i32
    %scan3A_7 = arith.addi %scan3A_5, %scan3A_6 : i32
    %scan3A_8 = arith.constant 1 : i32
    scf.for %scan3A_15 = %scan3A_5 to %scan3A_7 step %scan3A_8  : i32 {
      %dma_start3A = arith.constant 0 : i32
      %dma_start3A_16 = tpu.memref_slice %arg7[%scan3A_15, %dma_start3A] : memref<79x128xi32, #tpu.memory_space<vmem>> -> memref<1x128xi32, #tpu.memory_space<vmem>>
      %dma_start3A_17 = tpu.memref_squeeze %dma_start3A_16 : memref<1x128xi32, #tpu.memory_space<vmem>> -> memref<128xi32, #tpu.memory_space<vmem>>
      %dma_start3A_18 = arith.constant 0 : i32
      %dma_start3A_19 = arith.constant 0 : i32
      %dma_start3A_20 = tpu.memref_slice %arg2[%dma_start3A_18, %dma_start3A_19] : memref<10000x64xf32, #tpu.memory_space<hbm>> -> memref<10000x64xf32, #tpu.memory_space<hbm>>
      tpu.enqueue_indirect_dma source(%dma_start3A_20 : memref<10000x64xf32, #tpu.memory_space<hbm>>) target(%arg9 : memref<128x64xf32, #tpu.memory_space<vmem>>) offsets(%dma_start3A_17 : memref<128xi32, #tpu.memory_space<vmem>>) semaphore(%arg11 : memref<!tpu.dma_semaphore, #tpu.memory_space<semaphore_mem>>)
      %dma_wait3A = arith.constant 0 : i32
      %dma_wait3A_21 = tpu.memref_slice %arg7[%scan3A_15, %dma_wait3A] : memref<79x128xi32, #tpu.memory_space<vmem>> -> memref<1x128xi32, #tpu.memory_space<vmem>>
      %dma_wait3A_22 = tpu.memref_squeeze %dma_wait3A_21 : memref<1x128xi32, #tpu.memory_space<vmem>> -> memref<128xi32, #tpu.memory_space<vmem>>
      %dma_wait3A_23 = arith.constant 0 : i32
      %dma_wait3A_24 = arith.constant 0 : i32
      %dma_wait3A_25 = tpu.memref_slice %arg2[%dma_wait3A_23, %dma_wait3A_24] : memref<10000x64xf32, #tpu.memory_space<hbm>> -> memref<10000x64xf32, #tpu.memory_space<hbm>>
      tpu.wait_indirect_dma semaphore(%arg11 : memref<!tpu.dma_semaphore, #tpu.memory_space<semaphore_mem>>) src(%dma_wait3A_25 : memref<10000x64xf32, #tpu.memory_space<hbm>>) dst(%arg9 : memref<128x64xf32, #tpu.memory_space<vmem>>)
      "tpu.region"() ({
        %run_scoped3A = tpu.sem_alloc : memref<!tpu.dma_semaphore, #tpu.memory_space<semaphore_mem>>
        %dma_start3A_26 = arith.constant 0 : i32
        %dma_start3A_27 = tpu.memref_slice %arg8[%scan3A_15, %dma_start3A_26] : memref<79x128xi32, #tpu.memory_space<vmem>> -> memref<1x128xi32, #tpu.memory_space<vmem>>
        %dma_start3A_28 = tpu.memref_squeeze %dma_start3A_27 : memref<1x128xi32, #tpu.memory_space<vmem>> -> memref<128xi32, #tpu.memory_space<vmem>>
        %dma_start3A_29 = arith.constant 0 : i32
        %dma_start3A_30 = arith.constant 0 : i32
        %dma_start3A_31 = tpu.memref_slice %arg10[%dma_start3A_29, %dma_start3A_30] : memref<10240x64xf32, #tpu.memory_space<vmem_shared>> -> memref<10240x64xf32, #tpu.memory_space<vmem_shared>>
        tpu.enqueue_indirect_dma source(%arg9 : memref<128x64xf32, #tpu.memory_space<vmem>>) target(%dma_start3A_31 : memref<10240x64xf32, #tpu.memory_space<vmem_shared>>) offsets(%dma_start3A_28 : memref<128xi32, #tpu.memory_space<vmem>>) semaphore(%run_scoped3A : memref<!tpu.dma_semaphore, #tpu.memory_space<semaphore_mem>>) {add = true}
        %dma_wait3A_32 = arith.constant 0 : i32
        %dma_wait3A_33 = tpu.memref_slice %arg8[%scan3A_15, %dma_wait3A_32] : memref<79x128xi32, #tpu.memory_space<vmem>> -> memref<1x128xi32, #tpu.memory_space<vmem>>
        %dma_wait3A_34 = tpu.memref_squeeze %dma_wait3A_33 : memref<1x128xi32, #tpu.memory_space<vmem>> -> memref<128xi32, #tpu.memory_space<vmem>>
        %dma_wait3A_35 = arith.constant 0 : i32
        %dma_wait3A_36 = arith.constant 0 : i32
        %dma_wait3A_37 = tpu.memref_slice %arg10[%dma_wait3A_35, %dma_wait3A_36] : memref<10240x64xf32, #tpu.memory_space<vmem_shared>> -> memref<10240x64xf32, #tpu.memory_space<vmem_shared>>
        tpu.wait_indirect_dma semaphore(%run_scoped3A : memref<!tpu.dma_semaphore, #tpu.memory_space<semaphore_mem>>) src(%arg9 : memref<128x64xf32, #tpu.memory_space<vmem>>) dst(%dma_wait3A_37 : memref<10240x64xf32, #tpu.memory_space<vmem_shared>>)
        tpu.yield
      }) : () -> ()
    }
    %scan3A_9 = arith.constant 79 : i32
    %barrier3A_10 = arith.constant 0 : index
    tpu.barrier barrier_id(%barrier3A_10)
    %mul3A_11 = arith.constant 640 : i32
    %mul3A_12 = arith.muli %arg1, %mul3A_11 : i32
    %mul3A_13 = arith.constant 640 : i32
    %mul3A_14 = arith.muli %arg1, %mul3A_13 : i32
    "tpu.region"() ({
      %run_scoped3A = tpu.sem_alloc : memref<!tpu.dma_semaphore, #tpu.memory_space<semaphore_mem>>
      %dma_start3A = arith.constant 0 : i32
      %dma_start3A_15 = tpu.memref_slice %arg6[%arg0, %mul3A_14, %dma_start3A] : memref<2x10240x64xf32, #tpu.memory_space<hbm>> -> memref<1x640x64xf32, #tpu.memory_space<hbm>>
      %dma_start3A_16 = tpu.memref_squeeze %dma_start3A_15 : memref<1x640x64xf32, #tpu.memory_space<hbm>> -> memref<640x64xf32, #tpu.memory_space<hbm>>
      %dma_start3A_17 = arith.constant 0 : i32
      %dma_start3A_18 = tpu.memref_slice %arg10[%mul3A_12, %dma_start3A_17] : memref<10240x64xf32, #tpu.memory_space<vmem_shared>> -> memref<640x64xf32, #tpu.memory_space<vmem_shared>>
      tpu.enqueue_dma source(%dma_start3A_18 : memref<640x64xf32, #tpu.memory_space<vmem_shared>>) target(%dma_start3A_16 : memref<640x64xf32, #tpu.memory_space<hbm>>) target_semaphore(%run_scoped3A : memref<!tpu.dma_semaphore, #tpu.memory_space<semaphore_mem>>)
      %dma_wait3A = arith.constant 0 : i32
      %dma_wait3A_19 = tpu.memref_slice %arg6[%arg0, %mul3A_14, %dma_wait3A] : memref<2x10240x64xf32, #tpu.memory_space<hbm>> -> memref<1x640x64xf32, #tpu.memory_space<hbm>>
      %dma_wait3A_20 = tpu.memref_squeeze %dma_wait3A_19 : memref<1x640x64xf32, #tpu.memory_space<hbm>> -> memref<640x64xf32, #tpu.memory_space<hbm>>
      %dma_wait3A_21 = arith.constant 0 : i32
      %dma_wait3A_22 = tpu.memref_slice %arg10[%mul3A_12, %dma_wait3A_21] : memref<10240x64xf32, #tpu.memory_space<vmem_shared>> -> memref<640x64xf32, #tpu.memory_space<vmem_shared>>
      tpu.wait_dma2 semaphore(%run_scoped3A : memref<!tpu.dma_semaphore, #tpu.memory_space<semaphore_mem>>) src(%dma_wait3A_22 : memref<640x64xf32, #tpu.memory_space<vmem_shared>>) dst(%dma_wait3A_20 : memref<640x64xf32, #tpu.memory_space<hbm>>)
      tpu.yield
    }) : () -> ()
    return
  }
}

module attributes {stable_mosaic.version = 14 : i64} {
  func.func @_tc1_body(%arg0: i32, %arg1: memref<2000x128xf32, #tpu.memory_space<vmem>>, %arg2: memref<128x64xf32, #tpu.memory_space<vmem>>, %arg3: memref<2x2000x16xf32, #tpu.memory_space<vmem>>, %arg4: memref<2000x64xf32, #tpu.memory_space<vmem>>, %arg5: memref<2000x1xf32, #tpu.memory_space<vmem>>) attributes {dimension_semantics = [#tpu.dimension_semantics<arbitrary>], iteration_bounds = array<i64: 5>, scalar_prefetch = 0 : i64, scratch_operands = 0 : i64, tpu.core_type = #tpu.core_type<tc>, window_params = [{transform_indices = @transform_0, window_bounds = array<i64: 2000, 128>}, {pipeline_mode = #tpu.pipeline_mode<synchronous>, transform_indices = @transform_1, window_bounds = array<i64: 128, 64>}, {transform_indices = @transform_2, window_bounds = array<i64: 2, 2000, 16>}, {transform_indices = @transform_3, window_bounds = array<i64: 2000, 64>}, {transform_indices = @transform_4, window_bounds = array<i64: 2000, 1>}]} {
    %get3A = arith.constant 0 : index
    %get3A_0 = arith.constant 0 : index
    %get3A_1 = arith.constant 0 : index
    %get3A_2 = vector.load %arg3[%get3A, %get3A_0, %get3A_1] : memref<2x2000x16xf32, #tpu.memory_space<vmem>>, vector<1x2000x1xf32>
    %get3A_3 = vector.shape_cast %get3A_2 : vector<1x2000x1xf32> to vector<2000x1xf32>
    %get3A_4 = arith.constant 1 : index
    %get3A_5 = arith.constant 0 : index
    %get3A_6 = arith.constant 0 : index
    %get3A_7 = vector.load %arg3[%get3A_4, %get3A_5, %get3A_6] : memref<2x2000x16xf32, #tpu.memory_space<vmem>>, vector<1x2000x1xf32>
    %get3A_8 = vector.shape_cast %get3A_7 : vector<1x2000x1xf32> to vector<2000x1xf32>
    %add3A = arith.addf %get3A_3, %get3A_8 : vector<2000x1xf32>
    %add3A_9 = arith.constant 1.000000e+00 : f32
    %add3A_10 = vector.broadcast %add3A_9 : f32 to vector<2000x1xf32>
    %add3A_11 = arith.addf %add3A, %add3A_10 : vector<2000x1xf32>
    %rsqrt3A = math.rsqrt %add3A_11 : vector<2000x1xf32>
    %get3A_12 = arith.constant 0 : index
    %get3A_13 = arith.constant 0 : index
    %get3A_14 = vector.load %arg1[%get3A_12, %get3A_13] : memref<2000x128xf32, #tpu.memory_space<vmem>>, vector<2000x128xf32>
    %get3A_15 = arith.constant 0 : index
    %get3A_16 = arith.constant 0 : index
    %get3A_17 = vector.load %arg2[%get3A_15, %get3A_16] : memref<128x64xf32, #tpu.memory_space<vmem>>, vector<128x64xf32>
    %dot_general3A = arith.constant dense<0.000000e+00> : vector<2000x64xf32>
    %dot_general3A_18 = tpu.matmul %get3A_14, %get3A_17, %dot_general3A {dimension_numbers = #tpu.dot_dimension_numbers<[1], [0], [0], [1], [0, 0, 1, 1], [], []>, transpose_lhs_hint = false} : vector<2000x128xf32>, vector<128x64xf32>, vector<2000x64xf32> -> vector<2000x64xf32>
    %mul3A = vector.broadcast %rsqrt3A : vector<2000x1xf32> to vector<2000x64xf32>
    %mul3A_19 = arith.mulf %dot_general3A_18, %mul3A : vector<2000x64xf32>
    %swap3A = arith.constant 0 : index
    %swap3A_20 = arith.constant 0 : index
    %swap3A_21 = vector.load %arg4[%swap3A, %swap3A_20] : memref<2000x64xf32, #tpu.memory_space<vmem>>, vector<2000x64xf32>
    tpu.vector_store %arg4[%swap3A, %swap3A_20], %mul3A_19 {strides = array<i32>} : memref<2000x64xf32, #tpu.memory_space<vmem>>, vector<2000x64xf32>,
    %swap3A_22 = arith.constant 0 : index
    %swap3A_23 = arith.constant 0 : index
    %swap3A_24 = vector.load %arg5[%swap3A_22, %swap3A_23] : memref<2000x1xf32, #tpu.memory_space<vmem>>, vector<2000x1xf32>
    tpu.vector_store %arg5[%swap3A_22, %swap3A_23], %rsqrt3A {strides = array<i32>} : memref<2000x1xf32, #tpu.memory_space<vmem>>, vector<2000x1xf32>,
    return
  }
  func.func @transform_0(%arg0: i32) -> (i32, i32) {
    %c0_i32 = arith.constant 0 : i32
    %c0_i32_0 = arith.constant 0 : i32
    return %arg0, %c0_i32 : i32, i32
  }
  func.func @transform_1(%arg0: i32) -> (i32, i32) {
    %c0_i32 = arith.constant 0 : i32
    %c0_i32_0 = arith.constant 0 : i32
    %c0_i32_1 = arith.constant 0 : i32
    return %c0_i32, %c0_i32_0 : i32, i32
  }
  func.func @transform_2(%arg0: i32) -> (i32, i32, i32) {
    %c0_i32 = arith.constant 0 : i32
    %c0_i32_0 = arith.constant 0 : i32
    %c0_i32_1 = arith.constant 0 : i32
    return %c0_i32, %arg0, %c0_i32_0 : i32, i32, i32
  }
  func.func @transform_3(%arg0: i32) -> (i32, i32) {
    %c0_i32 = arith.constant 0 : i32
    %c0_i32_0 = arith.constant 0 : i32
    return %arg0, %c0_i32 : i32, i32
  }
  func.func @transform_4(%arg0: i32) -> (i32, i32) {
    %c0_i32 = arith.constant 0 : i32
    %c0_i32_0 = arith.constant 0 : i32
    return %arg0, %c0_i32 : i32, i32
  }
}

module attributes {stable_mosaic.version = 14 : i64} {
  func.func @_tc2_body(%arg0: i32, %arg1: memref<2x2000x64xf32, #tpu.memory_space<vmem>>, %arg2: memref<2000x64xf32, #tpu.memory_space<vmem>>, %arg3: memref<2000x1xf32, #tpu.memory_space<vmem>>, %arg4: memref<1x64xf32, #tpu.memory_space<vmem>>, %arg5: memref<64x64xf32, #tpu.memory_space<vmem>>, %arg6: memref<2000x64xf32, #tpu.memory_space<vmem>>) attributes {dimension_semantics = [#tpu.dimension_semantics<arbitrary>], iteration_bounds = array<i64: 5>, scalar_prefetch = 0 : i64, scratch_operands = 0 : i64, tpu.core_type = #tpu.core_type<tc>, window_params = [{transform_indices = @transform_0, window_bounds = array<i64: 2, 2000, 64>}, {transform_indices = @transform_1, window_bounds = array<i64: 2000, 64>}, {transform_indices = @transform_2, window_bounds = array<i64: 2000, 1>}, {pipeline_mode = #tpu.pipeline_mode<synchronous>, transform_indices = @transform_3, window_bounds = array<i64: 1, 64>}, {pipeline_mode = #tpu.pipeline_mode<synchronous>, transform_indices = @transform_4, window_bounds = array<i64: 64, 64>}, {transform_indices = @transform_5, window_bounds = array<i64: 2000, 64>}]} {
    %get3A = arith.constant 0 : index
    %get3A_0 = arith.constant 0 : index
    %get3A_1 = vector.load %arg3[%get3A, %get3A_0] : memref<2000x1xf32, #tpu.memory_space<vmem>>, vector<2000x1xf32>
    %get3A_2 = arith.constant 0 : index
    %get3A_3 = arith.constant 0 : index
    %get3A_4 = arith.constant 0 : index
    %get3A_5 = vector.load %arg1[%get3A_2, %get3A_3, %get3A_4] : memref<2x2000x64xf32, #tpu.memory_space<vmem>>, vector<1x2000x64xf32>
    %get3A_6 = vector.shape_cast %get3A_5 : vector<1x2000x64xf32> to vector<2000x64xf32>
    %get3A_7 = arith.constant 1 : index
    %get3A_8 = arith.constant 0 : index
    %get3A_9 = arith.constant 0 : index
    %get3A_10 = vector.load %arg1[%get3A_7, %get3A_8, %get3A_9] : memref<2x2000x64xf32, #tpu.memory_space<vmem>>, vector<1x2000x64xf32>
    %get3A_11 = vector.shape_cast %get3A_10 : vector<1x2000x64xf32> to vector<2000x64xf32>
    %add3A = arith.addf %get3A_6, %get3A_11 : vector<2000x64xf32>
    %get3A_12 = arith.constant 0 : index
    %get3A_13 = arith.constant 0 : index
    %get3A_14 = vector.load %arg2[%get3A_12, %get3A_13] : memref<2000x64xf32, #tpu.memory_space<vmem>>, vector<2000x64xf32>
    %add3A_15 = arith.addf %add3A, %get3A_14 : vector<2000x64xf32>
    %mul3A = vector.broadcast %get3A_1 : vector<2000x1xf32> to vector<2000x64xf32>
    %mul3A_16 = arith.mulf %mul3A, %add3A_15 : vector<2000x64xf32>
    %get3A_17 = arith.constant 0 : index
    %get3A_18 = arith.constant 0 : index
    %get3A_19 = vector.load %arg4[%get3A_17, %get3A_18] : memref<1x64xf32, #tpu.memory_space<vmem>>, vector<1x64xf32>
    %add3A_20 = vector.broadcast %get3A_19 : vector<1x64xf32> to vector<2000x64xf32>
    %add3A_21 = arith.addf %mul3A_16, %add3A_20 : vector<2000x64xf32>
    %max3A = arith.constant 0.000000e+00 : f32
    %max3A_22 = vector.broadcast %max3A : f32 to vector<2000x64xf32>
    %max3A_23 = arith.maximumf %add3A_21, %max3A_22 : vector<2000x64xf32>
    %get3A_24 = arith.constant 0 : index
    %get3A_25 = arith.constant 0 : index
    %get3A_26 = vector.load %arg5[%get3A_24, %get3A_25] : memref<64x64xf32, #tpu.memory_space<vmem>>, vector<64x64xf32>
    %dot_general3A = arith.constant dense<0.000000e+00> : vector<2000x64xf32>
    %dot_general3A_27 = tpu.matmul %max3A_23, %get3A_26, %dot_general3A {dimension_numbers = #tpu.dot_dimension_numbers<[1], [0], [0], [1], [0, 0, 1, 1], [], []>, transpose_lhs_hint = false} : vector<2000x64xf32>, vector<64x64xf32>, vector<2000x64xf32> -> vector<2000x64xf32>
    %mul3A_28 = vector.broadcast %get3A_1 : vector<2000x1xf32> to vector<2000x64xf32>
    %mul3A_29 = arith.mulf %dot_general3A_27, %mul3A_28 : vector<2000x64xf32>
    %swap3A = arith.constant 0 : index
    %swap3A_30 = arith.constant 0 : index
    %swap3A_31 = vector.load %arg6[%swap3A, %swap3A_30] : memref<2000x64xf32, #tpu.memory_space<vmem>>, vector<2000x64xf32>
    tpu.vector_store %arg6[%swap3A, %swap3A_30], %mul3A_29 {strides = array<i32>} : memref<2000x64xf32, #tpu.memory_space<vmem>>, vector<2000x64xf32>,
    return
  }
  func.func @transform_0(%arg0: i32) -> (i32, i32, i32) {
    %c0_i32 = arith.constant 0 : i32
    %c0_i32_0 = arith.constant 0 : i32
    %c0_i32_1 = arith.constant 0 : i32
    return %c0_i32, %arg0, %c0_i32_0 : i32, i32, i32
  }
  func.func @transform_1(%arg0: i32) -> (i32, i32) {
    %c0_i32 = arith.constant 0 : i32
    %c0_i32_0 = arith.constant 0 : i32
    return %arg0, %c0_i32 : i32, i32
  }
  func.func @transform_2(%arg0: i32) -> (i32, i32) {
    %c0_i32 = arith.constant 0 : i32
    %c0_i32_0 = arith.constant 0 : i32
    return %arg0, %c0_i32 : i32, i32
  }
  func.func @transform_3(%arg0: i32) -> (i32, i32) {
    %c0_i32 = arith.constant 0 : i32
    %c0_i32_0 = arith.constant 0 : i32
    %c0_i32_1 = arith.constant 0 : i32
    return %c0_i32, %c0_i32_0 : i32, i32
  }
  func.func @transform_4(%arg0: i32) -> (i32, i32) {
    %c0_i32 = arith.constant 0 : i32
    %c0_i32_0 = arith.constant 0 : i32
    %c0_i32_1 = arith.constant 0 : i32
    return %c0_i32, %c0_i32_0 : i32, i32
  }
  func.func @transform_5(%arg0: i32) -> (i32, i32) {
    %c0_i32 = arith.constant 0 : i32
    %c0_i32_0 = arith.constant 0 : i32
    return %arg0, %c0_i32 : i32, i32
  }
}

module attributes {stable_mosaic.version = 14 : i64} {
  func.func @_tc3_body(%arg0: i32, %arg1: memref<2x2000x64xf32, #tpu.memory_space<vmem>>, %arg2: memref<2000x64xf32, #tpu.memory_space<vmem>>, %arg3: memref<2000x1xf32, #tpu.memory_space<vmem>>, %arg4: memref<2000x1xi32, #tpu.memory_space<vmem>>, %arg5: memref<1x64xf32, #tpu.memory_space<vmem>>, %arg6: memref<64x64xf32, #tpu.memory_space<vmem>>, %arg7: memref<1x64xf32, #tpu.memory_space<vmem>>, %arg8: memref<64x10xf32, #tpu.memory_space<vmem>>, %arg9: memref<1x10xf32, #tpu.memory_space<vmem>>, %arg10: memref<64x64xf32, #tpu.memory_space<vmem>>, %arg11: memref<64x10xf32, #tpu.memory_space<vmem>>, %arg12: memref<64x64xf32, #tpu.memory_space<vmem>>, %arg13: memref<64x64xf32, #tpu.memory_space<vmem>>) attributes {dimension_semantics = [#tpu.dimension_semantics<arbitrary>], iteration_bounds = array<i64: 5>, scalar_prefetch = 0 : i64, scratch_operands = 2 : i64, tpu.core_type = #tpu.core_type<tc>, window_params = [{transform_indices = @transform_0, window_bounds = array<i64: 2, 2000, 64>}, {transform_indices = @transform_1, window_bounds = array<i64: 2000, 64>}, {transform_indices = @transform_2, window_bounds = array<i64: 2000, 1>}, {transform_indices = @transform_3, window_bounds = array<i64: 2000, 1>}, {pipeline_mode = #tpu.pipeline_mode<synchronous>, transform_indices = @transform_4, window_bounds = array<i64: 1, 64>}, {pipeline_mode = #tpu.pipeline_mode<synchronous>, transform_indices = @transform_5, window_bounds = array<i64: 64, 64>}, {pipeline_mode = #tpu.pipeline_mode<synchronous>, transform_indices = @transform_6, window_bounds = array<i64: 1, 64>}, {pipeline_mode = #tpu.pipeline_mode<synchronous>, transform_indices = @transform_7, window_bounds = array<i64: 64, 10>}, {pipeline_mode = #tpu.pipeline_mode<synchronous>, transform_indices = @transform_8, window_bounds = array<i64: 1, 10>}, {pipeline_mode = #tpu.pipeline_mode<synchronous>, transform_indices = @transform_9, window_bounds = array<i64: 64, 64>}, {pipeline_mode = #tpu.pipeline_mode<synchronous>, transform_indices = @transform_10, window_bounds = array<i64: 64, 10>}]} {
    %eq3A = arith.constant 0 : i32
    %eq3A_0 = arith.cmpi eq, %arg0, %eq3A : i32
    %convert_element_type3A = arith.extui %eq3A_0 : i1 to i32
    %cond3A = arith.constant 0 : i32
    %cond3A_1 = arith.cmpi ne, %convert_element_type3A, %cond3A : i32
    scf.if %cond3A_1 {
      %broadcast_in_dim3A_65 = arith.constant 0.000000e+00 : f32
      %broadcast_in_dim3A_66 = vector.broadcast %broadcast_in_dim3A_65 : f32 to vector<64x64xf32>
      %swap3A_67 = arith.constant 0 : index
      %swap3A_68 = arith.constant 0 : index
      %swap3A_69 = vector.load %arg12[%swap3A_67, %swap3A_68] : memref<64x64xf32, #tpu.memory_space<vmem>>, vector<64x64xf32>
      tpu.vector_store %arg12[%swap3A_67, %swap3A_68], %broadcast_in_dim3A_66 {strides = array<i32>} : memref<64x64xf32, #tpu.memory_space<vmem>>, vector<64x64xf32>,
      %broadcast_in_dim3A_70 = arith.constant 0.000000e+00 : f32
      %broadcast_in_dim3A_71 = vector.broadcast %broadcast_in_dim3A_70 : f32 to vector<64x64xf32>
      %swap3A_72 = arith.constant 0 : index
      %swap3A_73 = arith.constant 0 : index
      %swap3A_74 = vector.load %arg13[%swap3A_72, %swap3A_73] : memref<64x64xf32, #tpu.memory_space<vmem>>, vector<64x64xf32>
      tpu.vector_store %arg13[%swap3A_72, %swap3A_73], %broadcast_in_dim3A_71 {strides = array<i32>} : memref<64x64xf32, #tpu.memory_space<vmem>>, vector<64x64xf32>,
    } else {
    }
    %get3A = arith.constant 0 : index
    %get3A_2 = arith.constant 0 : index
    %get3A_3 = vector.load %arg3[%get3A, %get3A_2] : memref<2000x1xf32, #tpu.memory_space<vmem>>, vector<2000x1xf32>
    %get3A_4 = arith.constant 0 : index
    %get3A_5 = arith.constant 0 : index
    %get3A_6 = arith.constant 0 : index
    %get3A_7 = vector.load %arg1[%get3A_4, %get3A_5, %get3A_6] : memref<2x2000x64xf32, #tpu.memory_space<vmem>>, vector<1x2000x64xf32>
    %get3A_8 = vector.shape_cast %get3A_7 : vector<1x2000x64xf32> to vector<2000x64xf32>
    %get3A_9 = arith.constant 1 : index
    %get3A_10 = arith.constant 0 : index
    %get3A_11 = arith.constant 0 : index
    %get3A_12 = vector.load %arg1[%get3A_9, %get3A_10, %get3A_11] : memref<2x2000x64xf32, #tpu.memory_space<vmem>>, vector<1x2000x64xf32>
    %get3A_13 = vector.shape_cast %get3A_12 : vector<1x2000x64xf32> to vector<2000x64xf32>
    %add3A = arith.addf %get3A_8, %get3A_13 : vector<2000x64xf32>
    %get3A_14 = arith.constant 0 : index
    %get3A_15 = arith.constant 0 : index
    %get3A_16 = vector.load %arg2[%get3A_14, %get3A_15] : memref<2000x64xf32, #tpu.memory_space<vmem>>, vector<2000x64xf32>
    %add3A_17 = arith.addf %add3A, %get3A_16 : vector<2000x64xf32>
    %mul3A = vector.broadcast %get3A_3 : vector<2000x1xf32> to vector<2000x64xf32>
    %mul3A_18 = arith.mulf %mul3A, %add3A_17 : vector<2000x64xf32>
    %get3A_19 = arith.constant 0 : index
    %get3A_20 = arith.constant 0 : index
    %get3A_21 = vector.load %arg5[%get3A_19, %get3A_20] : memref<1x64xf32, #tpu.memory_space<vmem>>, vector<1x64xf32>
    %add3A_22 = vector.broadcast %get3A_21 : vector<1x64xf32> to vector<2000x64xf32>
    %add3A_23 = arith.addf %mul3A_18, %add3A_22 : vector<2000x64xf32>
    %max3A = arith.constant 0.000000e+00 : f32
    %max3A_24 = vector.broadcast %max3A : f32 to vector<2000x64xf32>
    %max3A_25 = arith.maximumf %add3A_23, %max3A_24 : vector<2000x64xf32>
    %get3A_26 = arith.constant 0 : index
    %get3A_27 = arith.constant 0 : index
    %get3A_28 = vector.load %arg6[%get3A_26, %get3A_27] : memref<64x64xf32, #tpu.memory_space<vmem>>, vector<64x64xf32>
    %dot_general3A = arith.constant dense<0.000000e+00> : vector<2000x64xf32>
    %dot_general3A_29 = tpu.matmul %max3A_25, %get3A_28, %dot_general3A {dimension_numbers = #tpu.dot_dimension_numbers<[1], [0], [0], [1], [0, 0, 1, 1], [], []>, transpose_lhs_hint = false} : vector<2000x64xf32>, vector<64x64xf32>, vector<2000x64xf32> -> vector<2000x64xf32>
    %get3A_30 = arith.constant 0 : index
    %get3A_31 = arith.constant 0 : index
    %get3A_32 = vector.load %arg7[%get3A_30, %get3A_31] : memref<1x64xf32, #tpu.memory_space<vmem>>, vector<1x64xf32>
    %add3A_33 = vector.broadcast %get3A_32 : vector<1x64xf32> to vector<2000x64xf32>
    %add3A_34 = arith.addf %dot_general3A_29, %add3A_33 : vector<2000x64xf32>
    %iota3A = tpu.iota {dimensions = array<i32: 1>} : vector<2000x64xi32>
    %get3A_35 = arith.constant 0 : index
    %get3A_36 = arith.constant 0 : index
    %get3A_37 = vector.load %arg4[%get3A_35, %get3A_36] : memref<2000x1xi32, #tpu.memory_space<vmem>>, vector<2000x1xi32>
    %eq3A_38 = vector.broadcast %get3A_37 : vector<2000x1xi32> to vector<2000x64xi32>
    %eq3A_39 = arith.cmpi eq, %eq3A_38, %iota3A : vector<2000x64xi32>
    %convert_element_type3A_40 = arith.extui %eq3A_39 : vector<2000x64xi1> to vector<2000x64xi32>
    %convert_element_type3A_41 = arith.sitofp %convert_element_type3A_40 : vector<2000x64xi32> to vector<2000x64xf32>
    %get3A_42 = arith.constant 0 : index
    %get3A_43 = arith.constant 0 : index
    %get3A_44 = vector.load %arg12[%get3A_42, %get3A_43] : memref<64x64xf32, #tpu.memory_space<vmem>>, vector<64x64xf32>
    %dot_general3A_45 = arith.constant dense<0.000000e+00> : vector<64x64xf32>
    %dot_general3A_46 = tpu.matmul %convert_element_type3A_41, %add3A_34, %dot_general3A_45 {dimension_numbers = #tpu.dot_dimension_numbers<[0], [0], [1], [1], [0, 1, 1, 1], [], []>, transpose_lhs_hint = false} : vector<2000x64xf32>, vector<2000x64xf32>, vector<64x64xf32> -> vector<64x64xf32>
    %add3A_47 = arith.addf %get3A_44, %dot_general3A_46 : vector<64x64xf32>
    %swap3A = arith.constant 0 : index
    %swap3A_48 = arith.constant 0 : index
    %swap3A_49 = vector.load %arg12[%swap3A, %swap3A_48] : memref<64x64xf32, #tpu.memory_space<vmem>>, vector<64x64xf32>
    tpu.vector_store %arg12[%swap3A, %swap3A_48], %add3A_47 {strides = array<i32>} : memref<64x64xf32, #tpu.memory_space<vmem>>, vector<64x64xf32>,
    %get3A_50 = arith.constant 0 : index
    %get3A_51 = arith.constant 0 : index
    %get3A_52 = vector.load %arg13[%get3A_50, %get3A_51] : memref<64x64xf32, #tpu.memory_space<vmem>>, vector<64x64xf32>
    %broadcast_in_dim3A = arith.constant 1.000000e+00 : f32
    %broadcast_in_dim3A_53 = vector.broadcast %broadcast_in_dim3A : f32 to vector<2000x64xf32>
    %dot_general3A_54 = arith.constant dense<0.000000e+00> : vector<64x64xf32>
    %dot_general3A_55 = tpu.matmul %convert_element_type3A_41, %broadcast_in_dim3A_53, %dot_general3A_54 {dimension_numbers = #tpu.dot_dimension_numbers<[0], [0], [1], [1], [0, 1, 1, 1], [], []>, transpose_lhs_hint = false} : vector<2000x64xf32>, vector<2000x64xf32>, vector<64x64xf32> -> vector<64x64xf32>
    %add3A_56 = arith.addf %get3A_52, %dot_general3A_55 : vector<64x64xf32>
    %swap3A_57 = arith.constant 0 : index
    %swap3A_58 = arith.constant 0 : index
    %swap3A_59 = vector.load %arg13[%swap3A_57, %swap3A_58] : memref<64x64xf32, #tpu.memory_space<vmem>>, vector<64x64xf32>
    tpu.vector_store %arg13[%swap3A_57, %swap3A_58], %add3A_56 {strides = array<i32>} : memref<64x64xf32, #tpu.memory_space<vmem>>, vector<64x64xf32>,
    %eq3A_60 = arith.constant 4 : i32
    %eq3A_61 = arith.cmpi eq, %arg0, %eq3A_60 : i32
    %convert_element_type3A_62 = arith.extui %eq3A_61 : i1 to i32
    %cond3A_63 = arith.constant 0 : i32
    %cond3A_64 = arith.cmpi ne, %convert_element_type3A_62, %cond3A_63 : i32
    scf.if %cond3A_64 {
      %get3A_65 = arith.constant 0 : index
      %get3A_66 = arith.constant 0 : index
      %get3A_67 = vector.load %arg12[%get3A_65, %get3A_66] : memref<64x64xf32, #tpu.memory_space<vmem>>, vector<64x64xf32>
      %get3A_68 = arith.constant 0 : index
      %get3A_69 = arith.constant 0 : index
      %get3A_70 = vector.load %arg13[%get3A_68, %get3A_69] : memref<64x64xf32, #tpu.memory_space<vmem>>, vector<64x64xf32>
      %max3A_71 = arith.constant 1.000000e+00 : f32
      %max3A_72 = vector.broadcast %max3A_71 : f32 to vector<64x64xf32>
      %max3A_73 = arith.maximumf %get3A_70, %max3A_72 : vector<64x64xf32>
      %div3A = arith.divf %get3A_67, %max3A_73 : vector<64x64xf32>
      %swap3A_74 = arith.constant 0 : index
      %swap3A_75 = arith.constant 0 : index
      %swap3A_76 = vector.load %arg10[%swap3A_74, %swap3A_75] : memref<64x64xf32, #tpu.memory_space<vmem>>, vector<64x64xf32>
      tpu.vector_store %arg10[%swap3A_74, %swap3A_75], %div3A {strides = array<i32>} : memref<64x64xf32, #tpu.memory_space<vmem>>, vector<64x64xf32>,
      %get3A_77 = arith.constant 0 : index
      %get3A_78 = arith.constant 0 : index
      %get3A_79 = vector.load %arg8[%get3A_77, %get3A_78] : memref<64x10xf32, #tpu.memory_space<vmem>>, vector<64x10xf32>
      %dot_general3A_80 = arith.constant dense<0.000000e+00> : vector<64x10xf32>
      %dot_general3A_81 = tpu.matmul %div3A, %get3A_79, %dot_general3A_80 {dimension_numbers = #tpu.dot_dimension_numbers<[1], [0], [0], [1], [0, 0, 1, 1], [], []>, transpose_lhs_hint = false} : vector<64x64xf32>, vector<64x10xf32>, vector<64x10xf32> -> vector<64x10xf32>
      %get3A_82 = arith.constant 0 : index
      %get3A_83 = arith.constant 0 : index
      %get3A_84 = vector.load %arg9[%get3A_82, %get3A_83] : memref<1x10xf32, #tpu.memory_space<vmem>>, vector<1x10xf32>
      %add3A_85 = vector.broadcast %get3A_84 : vector<1x10xf32> to vector<64x10xf32>
      %add3A_86 = arith.addf %dot_general3A_81, %add3A_85 : vector<64x10xf32>
      %swap3A_87 = arith.constant 0 : index
      %swap3A_88 = arith.constant 0 : index
      %swap3A_89 = vector.load %arg11[%swap3A_87, %swap3A_88] : memref<64x10xf32, #tpu.memory_space<vmem>>, vector<64x10xf32>
      tpu.vector_store %arg11[%swap3A_87, %swap3A_88], %add3A_86 {strides = array<i32>} : memref<64x10xf32, #tpu.memory_space<vmem>>, vector<64x10xf32>,
    } else {
    }
    return
  }
  func.func @transform_0(%arg0: i32) -> (i32, i32, i32) {
    %c0_i32 = arith.constant 0 : i32
    %c0_i32_0 = arith.constant 0 : i32
    %c0_i32_1 = arith.constant 0 : i32
    return %c0_i32, %arg0, %c0_i32_0 : i32, i32, i32
  }
  func.func @transform_1(%arg0: i32) -> (i32, i32) {
    %c0_i32 = arith.constant 0 : i32
    %c0_i32_0 = arith.constant 0 : i32
    return %arg0, %c0_i32 : i32, i32
  }
  func.func @transform_2(%arg0: i32) -> (i32, i32) {
    %c0_i32 = arith.constant 0 : i32
    %c0_i32_0 = arith.constant 0 : i32
    return %arg0, %c0_i32 : i32, i32
  }
  func.func @transform_3(%arg0: i32) -> (i32, i32) {
    %c0_i32 = arith.constant 0 : i32
    %c0_i32_0 = arith.constant 0 : i32
    return %arg0, %c0_i32 : i32, i32
  }
  func.func @transform_4(%arg0: i32) -> (i32, i32) {
    %c0_i32 = arith.constant 0 : i32
    %c0_i32_0 = arith.constant 0 : i32
    %c0_i32_1 = arith.constant 0 : i32
    return %c0_i32, %c0_i32_0 : i32, i32
  }
  func.func @transform_5(%arg0: i32) -> (i32, i32) {
    %c0_i32 = arith.constant 0 : i32
    %c0_i32_0 = arith.constant 0 : i32
    %c0_i32_1 = arith.constant 0 : i32
    return %c0_i32, %c0_i32_0 : i32, i32
  }
  func.func @transform_6(%arg0: i32) -> (i32, i32) {
    %c0_i32 = arith.constant 0 : i32
    %c0_i32_0 = arith.constant 0 : i32
    %c0_i32_1 = arith.constant 0 : i32
    return %c0_i32, %c0_i32_0 : i32, i32
  }
  func.func @transform_7(%arg0: i32) -> (i32, i32) {
    %c0_i32 = arith.constant 0 : i32
    %c0_i32_0 = arith.constant 0 : i32
    %c0_i32_1 = arith.constant 0 : i32
    return %c0_i32, %c0_i32_0 : i32, i32
  }
  func.func @transform_8(%arg0: i32) -> (i32, i32) {
    %c0_i32 = arith.constant 0 : i32
    %c0_i32_0 = arith.constant 0 : i32
    %c0_i32_1 = arith.constant 0 : i32
    return %c0_i32, %c0_i32_0 : i32, i32
  }
  func.func @transform_9(%arg0: i32) -> (i32, i32) {
    %c0_i32 = arith.constant 0 : i32
    %c0_i32_0 = arith.constant 0 : i32
    %c0_i32_1 = arith.constant 0 : i32
    return %c0_i32, %c0_i32_0 : i32, i32
  }
  func.func @transform_10(%arg0: i32) -> (i32, i32) {
    %c0_i32 = arith.constant 0 : i32
    %c0_i32_0 = arith.constant 0 : i32
    %c0_i32_1 = arith.constant 0 : i32
    return %c0_i32, %c0_i32_0 : i32, i32
  }
}

</mosaic_0001>

<sc_bundles>
// kernel: kernel.11.cloned.1.call-start
scs
__scs_entry_jumppad:
0x0: {  	(pc) =	sbr.rel $0x88, $3  }
0x1: {  	(tag) =	ssettag $0x0;
	lr =	simm.s32 $0x1  }
0x2: {  	[smem:$0x3F96] =	sst lr;
	_ =	strace $0xD0000000  }
0x3: {  	_ = 	snop  }
0x4: {  	_ = 	snop  }
0x5: {  	_ = 	snop  }
0x6: {  	_ = 	snop  }
0x7: {  	_ = 	snop  }
__scs_overlays_trampoline_lowered:
0x8: {  	[smem:$0x3FA5] =	sst s0  }
0x9: {  	[smem:$0x3FA6] =	sst s1  }
0xa: {  	[smem:$0x3FA7] =	sst s2  }
0xb: {  	[smem:$0x3FA8] =	sst s3  }
0xc: {  	[smem:$0x3FA9] =	sst s4  }
0xd: {  	[smem:$0x3FAA] =	sst s5  }
0xe: {  	[smem:$0x3FAB] =	sst s6  }
0xf: {  	[smem:$0x3FAC] =	sst s7  }
0x10: {  	[smem:$0x3FAD] =	sst s8  }
0x11: {  	[smem:$0x3FAE] =	sst s9;
	s0 =	simm.s32 @!p0 $0x0  }
0x12: {  	s1 =	sld [smem:$0x3F94];
	s0 =	simm.s32 @p0 $0x1  }
0x13: {  	[smem:$0x3FAF] =	sst s0;
	s0 =	simm.s32 @!p1 $0x0  }
0x14: {  	s2 =	sld [smem:$0x3F93];
	s0 =	simm.s32 @p1 $0x1  }
0x15: {  	[smem:$0x3FB0] =	sst s0;
	s0 =	simm.s32 @!p2 $0x0  }
0x16: {  	s3 =	sld [smem:$0x3FDB];
	s0 =	simm.s32 @p2 $0x1  }
0x17: {  	s4 =	simm.s32 $0x1BF5;
	[smem:$0x3FB2] =	sst s0  }
0x18: {  	s0 =	sld [smem:$0x3F95];
	_ =	swait.ge [sflag:s4], $0x0  }
0x19: {  	s7 =	sld [smem:$0x3F96]  }
0x1a: {  	s8 =	sadd.s32 $0xFFFFE003, lr  }
0x1b: {  	s9 =	sadd.s32 $0xFFFFFEF7, lr;
	s5 =	simm.s32 $0xFFFFFFFF;
	p2 =	slt.u32 s8, $0xFFFFF086  }
0x1c: {  	p1 =	slt.u32 s9, $0xF7A;
	s5 =	simm.s32 @!p2 $0x0  }
0x1d: {  	s5 =	simm.s32 @p1 $0x1;
	p0 =	seq.s32 s7, s2  }
0x1e: {  	s7 =	smul.u32 @!p0 $0xF7A, s2;
	p2 =	seq.s32 @!p0 s5, $0x0  }
0x1f: {  	s9 =	smul.u32 $0xF7A, s1;
	s8 =	simm.s32 @!p0 $0x1BF5;
	p2 =	por !p2, p0  }
0x20: {  	[sflag:s8] =	ssyncset.s32 @!p0 $0xFFFFF086;
	s6 =	sadd.s32 @!p0 s3, s7;
	s7 =	simm.s32 @!p0 $0x108  }
0x21: {  	s3 =	sadd.s32 s3, s9;
	s6 =	sadd.s32 @!p0 $0x88, s6;
	s7 =	simm.s32 @p2 $0x1082  }
0x22: {  	[simem:s7], [sflag:s8] =	dma.local @!p0 [hbm:s6], $0xF7A  }
0x23: {  	s9 =	sor.u32 $0xD0000000, s2;
	s6 =	simm.s32 $0x108;
	_ =	swait.ge @!p0 [sflag:s8], $0x0  }
0x24: {  	s3 =	sadd.s32 $0x88, s3;
	s6 =	simm.s32 @!p1 $0x1082;
	[sflag:s4] =	ssyncset.s32 $0xFFFFF086  }
0x25: {  	[simem:s6], [sflag:s4] =	dma.local [hbm:s3], $0xF7A  }
0x26: {  	[smem:$0x3F96] =	sst s1;
	(tag) =	ssettag s2;
	_ =	strace s9  }
0x27: {  	s1 =	sld [smem:$0x3FA6]  }
0x28: {  	s2 =	sld [smem:$0x3FA7]  }
0x29: {  	s4 =	sld [smem:$0x3FA9]  }
0x2a: {  	p0 =	seq.s32 s5, $0x0;
	s5 =	sld [smem:$0x3FAA]  }
0x2b: {  	s6 =	sld [smem:$0x3FAB]  }
0x2c: {  	s7 =	sld [smem:$0x3FAC]  }
0x2d: {  	s3 =	simm.s32 $0x108;
	s8 =	sld [smem:$0x3FAD]  }
0x2e: {  	s3 =	simm.s32 @!p0 $0x1082;
	s9 =	sld [smem:$0x3FAE]  }
0x2f: {  	lr =	sadd.s32 s0, s3;
	s0 =	sld [smem:$0x3FA5]  }
0x30: {  	s3 =	sld [smem:$0x3FA8]  }
0x31: {  	[smem:$0x3FB1] =	sst s10  }
0x32: {  	s10 =	sld [smem:$0x3FAF];
	_ =	sdelay $0x3  }
0x33: {  	p0 =	seq.s32 s10, $0x1;
	s10 =	sld [smem:$0x3FB1];
	_ =	sdelay $0x3  }
0x34: {  	[smem:$0x3FB1] =	sst s10  }
0x35: {  	s10 =	sld [smem:$0x3FB0];
	_ =	sdelay $0x3  }
0x36: {  	p1 =	seq.s32 s10, $0x1;
	s10 =	sld [smem:$0x3FB1];
	_ =	sdelay $0x3  }
0x37: {  	[smem:$0x3FB1] =	sst s10  }
0x38: {  	s10 =	sld [smem:$0x3FB2]  }
0x39: {  	_ = 	snop;
	(pc) =	sbr.ind lr, $3  }
0x3a: {  	_ = 	snop  }
0x3b: {  	_ = 	snop  }
0x3c: {  	p2 =	seq.s32 s10, $0x1;
	s10 =	sld [smem:$0x3FB1]  }
0x3d: {  	_ =	shalt  }
0x3e: {  	_ =	shalt  }
0x3f: {  	_ =	shalt  }
0x40: {  	_ =	shalt  }
0x41: {  	_ =	shalt  }
0x42: {  	_ =	shalt  }
0x43: {  	_ =	shalt  }
0x44: {  	_ =	shalt  }
0x45: {  	_ =	shalt  }
0x46: {  	_ =	shalt  }
0x47: {  	_ =	shalt  }
0x48: {  	_ =	shalt  }
0x49: {  	_ =	shalt  }
0x4a: {  	_ =	shalt  }
0x4b: {  	_ =	shalt  }
0x4c: {  	_ =	shalt  }
0x4d: {  	_ =	shalt  }
0x4e: {  	_ =	shalt  }
0x4f: {  	_ =	shalt  }
0x50: {  	_ =	shalt  }
0x51: {  	_ =	shalt  }
0x52: {  	_ =	shalt  }
0x53: {  	_ =	shalt  }
0x54: {  	_ =	shalt  }
0x55: {  	_ =	shalt  }
0x56: {  	_ =	shalt  }
0x57: {  	_ =	shalt  }
0x58: {  	_ =	shalt  }
0x59: {  	_ =	shalt  }
0x5a: {  	_ =	shalt  }
0x5b: {  	_ =	shalt  }
0x5c: {  	_ =	shalt  }
0x5d: {  	_ =	shalt  }
0x5e: {  	_ =	shalt  }
0x5f: {  	_ =	shalt  }
0x60: {  	_ =	shalt  }
0x61: {  	_ =	shalt  }
0x62: {  	_ =	shalt  }
0x63: {  	_ =	shalt  }
0x64: {  	_ =	shalt  }
0x65: {  	_ =	shalt  }
0x66: {  	_ =	shalt  }
0x67: {  	_ =	shalt  }
0x68: {  	_ =	shalt  }
0x69: {  	_ =	shalt  }
0x6a: {  	_ =	shalt  }
0x6b: {  	_ =	shalt  }
0x6c: {  	_ =	shalt  }
0x6d: {  	_ =	shalt  }
0x6e: {  	_ =	shalt  }
0x6f: {  	_ =	shalt  }
0x70: {  	_ =	shalt  }
0x71: {  	_ =	shalt  }
0x72: {  	_ =	shalt  }
0x73: {  	_ =	shalt  }
0x74: {  	_ =	shalt  }
0x75: {  	_ =	shalt  }
0x76: {  	_ =	shalt  }
0x77: {  	_ =	shalt  }
0x78: {  	_ =	shalt  }
0x79: {  	_ =	shalt  }
0x7a: {  	_ =	shalt  }
0x7b: {  	_ =	shalt  }
0x7c: {  	_ =	shalt  }
0x7d: {  	_ =	shalt  }
0x7e: {  	_ =	shalt  }
0x7f: {  	_ =	shalt  }
0x80: {  	_ =	shalt  }
0x81: {  	_ =	shalt  }
0x82: {  	_ =	shalt  }
0x83: {  	_ =	shalt  }
0x84: {  	_ =	shalt  }
0x85: {  	_ =	shalt  }
0x86: {  	_ =	shalt  }
0x87: {  	_ =	shalt  }
.Lfunc_end0:
.L_simem_size_0:
called_computation.1_lowered:
.L_overlay_start_0:
0x88: {  	s2 =	sld [smem:$0x3FD9]  }
0x89: {  	s3 =	sld [smem:$0x3FFE];
	_ =	sdelay $0x1  }
0x8a: {  	s1 =	srdreg.scid  }
0x8b: {  	s0 =	sand.u32 $0x1, s1  }
0x8c: {  	s16 =	sshll.u32 s0, $0xA;
	s2 =	sadd.s32 s3, s2  }
0x8d: {  	s2 =	sadd.s32 s2, s16  }
0x8e: {  	[smem:$0x3FBD] =	sst s2  }
0x8f: {  	_ = 	snop  }
0x90: {  	(tm) =	ssettm $0x1  }
0x91: {  	s17 =	sld [smem:$0x3FFB];
	_ =	sdelay $0x3  }
0x92: {  	_ =	strace s17  }
0x93: {  	s2 =	sld [smem:$0x3FFC];
	_ =	sdelay $0x3  }
0x94: {  	_ =	strace s2  }
0x95: {  	s2 =	sld [smem:$0x3FFD];
	_ =	sdelay $0x3  }
0x96: {  	_ =	strace s2  }
0x97: {  	_ =	strace $0x8FFFFFFF  }
0x98: {  	s18 =	sld [smem:$0x3FDB];
	_ =	sdelay $0x1  }
0x99: {  	s19 =	simm.s32 $_scs_section_size  }
0x9a: {  	s4 =	simm.s32 $_size__tile_overlayer_lowered;
	s5 =	simm.s32 $_tile_overlayer_lowered  }
0x9b: {  	s22 =	simm.s32 $0x1BFF;
	s21 =	sshll.u32 s5, $0x1;
	s2 =	sadd.s32 s19, s18  }
0x9c: {  	s6 =	simm.s32 $0x0;
	s20 =	sshll.u32 s4, $0x1;
	s4 =	sadd.s32 s21, s2  }
0x9d: {  	[timem:s6], [sflag:s22] =	dma.local [hbm:s4], s20  }
0x9e: {  	_ =	swait.ge [sflag:s22], s20  }
0x9f: {  	s3 =	ssub.s32 $0x0, s20;
	[sflag:s22] =	ssyncset.done $0x0  }
0xa0: {  	[sflag:s22] =	ssyncadd.s32 s3;
	_ =	sdelay $0x1  }
0xa1: {  	s23 =	simm.s32 $0x1B8B  }
0xa2: {  	_ =	swait.ge [sflag:s23], $0x1  }
0xa3: {  	[sflag:s23] =	ssyncset.done $0x0  }
0xa4: {  	s25 =	simm.s32 $0x1B8E;
	s24 =	sld [smem:$0x3FFE];
	[sflag:s23] =	ssyncadd.s32 $0xFFFFFFFF  }
0xa5: {  	s26 =	simm.s32 $execute0_lowered;
	[smem:$0x3FD2] =	sst s25  }
0xa6: {  	s4 =	sshll.u32 s26, $0x1;
	_ =	strace $0x80000049;
	[dreg:$0x1] =	wrdreg $0xFFFFFFFF  }
0xa7: {  	s28 =	simm.s32 $_size_execute0_lowered;
	s2 =	sadd.s32 s2, s4;
	[dreg:$0x0] =	wrdreg $0x0  }
0xa8: {  	s4 =	sshll.u32 s28, $0x1;
	[dreg:$0x2] =	wrdreg s2  }
0xa9: {  	[dreg:$0x3] =	wrdreg s4  }
0xaa: {  	[dreg:$0x4] =	wrdreg $0xC0  }
0xab: {  	_ =	task [dreg:s6], $0x5FFFF  }
0xac: {  	[dreg:$0x1] =	wrdreg $0xFFFFFFFF  }
0xad: {  	[dreg:$0x0] =	wrdreg $0x60  }
0xae: {  	[dreg:$0x2] =	wrdreg s24  }
0xaf: {  	[dreg:$0x3] =	wrdreg $0x6F000  }
0xb0: {  	[dreg:$0x4] =	wrdreg $0x9  }
0xb1: {  	_ =	task.clear_ibuf [dreg:s6], $0x5FFFF;
	_ =	strace $0x90000049  }
0xb2: {  	s29 =	simm.s32 $0x9;
	_ =	strace $0x8000004B  }
0xb3: {  	_ =	swait.ge [sflag:s29], $0x1  }
0xb4: {  	[sflag:s29] =	ssyncadd.s32 $0xFFFFFFFF  }
0xb5: {  	_ =	strace $0x9000004B  }
0xb6: {  	_ =	sfence  }
0xb7: {  	s30 =	sld [smem:$0x0];
	_ =	sdelay $0x2  }
0xb8: {  	s31 =	sshll.u32 s1, $0xD;
	s1 =	sshrl.u32 s1, $0x2  }
0xb9: {  	s3 =	sand.u32 $0x4000, s31;
	s1 =	sadd.s32 s1, s30  }
0xba: {  	s0 =	sor.u32 s3, s0;
	s1 =	sshll.u32 s1, $0x11  }
0xbb: {  	s0 =	sor.u32 s1, s0  }
0xbc: {  	s0 =	sadd.s32 $0x8F2B, s0  }
0xbd: {  	[sflag:s0] =	ssyncadd.remote.s32 $0x1  }
0xbe: {  	_ =	sfence.sel $0xFFFF  }
0xbf: {  	[dreg:$0x0] =	wrdreg $0xFFFFFFFF;
	(pc) =	sbr.abs _section_cstart, $3  }
0xc0: {  	[dreg:$0x1] =	wrdreg $0xFFFFFFFF  }
0xc1: {  	_ =	task.clear_ibuf [dreg:s6], $0x2FFFF;
	_ =	strace $0x9FFFFFFF  }
0xc2: {  	(tm) =	ssettm $0x7FFFFFFF  }
0xc3: {  	_ =	shalt  }
tec
execute0_lowered:
.L_overlay_start_1:
0x0: {  	(tag) =	ssettag $0x1  }
0x1: {  	s1 =	srdreg.scid  }
0x2: {  	s0 =	stileid.u32;
	s6 =	rddreg [dreg:$0x0]  }
0x3: {  	s2 =	rddreg [dreg:$0x1];
	s3 =	simm.s32 $0x0;
	s14 =	simm.s32 $0x80  }
0x4: {  	s15 =	simm.s32 $0x4F00;
	s16 =	simm.s32 $0x1;
	s17 =	simm.s32 $0x0  }
0x5: {  	s5 =	sand.u32 $0x1, s1;
	s31 =	sshll.u32 s0, $0x1;
	s8 =	smul.u32 $0xA000, s0  }
0x6: {  	[smem:$0x7FF] =	sst s3;
	s4 =	sadd.s32 $0x24E00, s6;
	s12 =	sshll.u32 s0, $0x6  }
0x7: {  	s1 =	sor.u32 s5, s31;
	s9 =	smul.u32 $0xA0000, s5;
	s5 =	ssub.s32 $0x2, s5  }
0x8: {  	s12 =	sor.u32 $0x1C02, s12;
	s7 =	smul.u32 $0x4F0, s1;
	s1 =	rddreg [dreg:$0x2]  }
0x9: {  	_ =	strace $0x8000004A;
	s10 =	sshrl.u32 s8, $0x3;
	s11 =	sshrl.u32 s5, $0x1  }
0xa: {  	s13 =	sadd.s32 s8, s2;
	s9 =	sadd.s32 s8, s9;
	s10 =	sadd.s32 s10, s6  }
0xb: {  	s11 =	ssub.s32 s5, s11;
	s7 =	sadd.s32 s7, s6;
	s9 =	sshrl.u32 s9, $0x3  }
0xc: {  	s13 =	sshrl.u32 s13, $0x3;
	s9 =	sadd.s32 s9, s6;
	s5 =	sadd.s32 $0x1B000, s7  }
0xd: {  	s6 =	sadd.s32 $0x2200, s7;
	s7 =	sadd.s32 $0x38800, s10;
	s10 =	simm.s32 $0x2  }
0xe: {  	s8 =	sadd.s32 $0x4C800, s9;
	s9 =	smax.u32 s11, $0x1;
	s11 =	simm.s32 $0x2780  }
.LBB2_1:
0xf: {  	[tilespmem:s3], [sflag:$0x2] =	stream.linear.gather [hbm4b:s5+s3], $0x2780, $0x38;
	[tilespmem:$0x10F00] =	vst v63  }
0x10: {  	_ =	swait.ge [sflag:s10], $0x2780  }
0x11: {  	[sflag:s10] =	ssyncset.done $0x0  }
0x12: {  	[sflag:s10] =	ssyncadd.s32 $0xFFFFD880  }
0x13: {  	[tilespmem:s11], [sflag:$0x2] =	stream.linear.gather [hbm4b:s6+s3], $0x2780, $0x38;
	[tilespmem:$0x10F00] =	vst v63  }
0x14: {  	_ =	swait.ge [sflag:s10], $0x2780  }
0x15: {  	[sflag:s10] =	ssyncset.done $0x0  }
0x16: {  	[sflag:s10] =	ssyncadd.s32 $0xFFFFD880  }
0x17: {  	[spmem:s13], [sflag:s12] =	dma.local [hbm:s7], $0x1400  }
0x18: {  	_ =	swait.ge [sflag:s10], $0x1400  }
0x19: {  	[sflag:s10] =	ssyncset.done $0x0  }
0x1a: {  	[sflag:s10] =	ssyncadd.s32 $0xFFFFEC00  }
0x1b: {  	s18 =	simm.s32 $0x0;
	[bflag:$0x0] =	sbarrier.arrive $0xFFFF  }
0x1c: {  	[tilespmem:s15], [sflag:$0x1] =	stream.indirect.gather [hbm4b:s4+s14], $0x40, s18, s14, $0xb8;
	[tilespmem:$0x10F00] =	vst v63  }
0x1d: {  	_ =	swait.ge [sflag:s16], $0x2000  }
0x1e: {  	[sflag:s16] =	ssyncset.done $0x0  }
0x1f: {  	s31 =	simm.s32 $0x2780;
	[sflag:s16] =	ssyncadd.s32 $0xFFFFE000  }
0x20: {  	[spmem:s2] =	stream.indirect.scatter.add.f32 [tilespmem:s15], [sflag:$0x2], $0x40, s31, s14, $0xb8;
	[tilespmem:$0x10F00] =	vst v63  }
0x21: {  	_ =	swait.ge [sflag:s10], $0x2000  }
0x22: {  	s19 =	simm.s32 $0x400;
	s18 =	simm.s32 $0x200;
	[sflag:s10] =	ssyncset.done $0x0  }
.LBB2_2:
0x23: {  	s20 =	sshra.s32 s18, $0x2  }
0x24: {  	[sflag:s10] =	ssyncadd.s32 $0xFFFFE000;
	s18 =	smov.u32 s19;
	s21 =	sadd.s32 $0x200, s19  }
0x25: {  	[tilespmem:s15], [sflag:$0x1] =	stream.indirect.gather [hbm4b:s4+s14], $0x40, s20, s14, $0xb8;
	[tilespmem:$0x10F00] =	vst v63  }
0x26: {  	p0 =	sne.s32 s19, $0x9C00;
	_ =	swait.ge [sflag:s16], $0x2000  }
.Ltmp0:
0x27: {  	[sflag:s16] =	ssyncset.done $0x0;
	(pc) =	sbr.rel @p0 .LBB2_2-.Ltmp0, $4  }
0x28: {  	s19 =	sadd.s32 $0x2780, s20;
	[sflag:s16] =	ssyncadd.s32 $0xFFFFE000  }
0x29: {  	[spmem:s2] =	stream.indirect.scatter.add.f32 [tilespmem:s15], [sflag:$0x2], $0x40, s19, s14, $0xb8;
	[tilespmem:$0x10F00] =	vst v63  }
0x2a: {  	_ =	swait.ge [sflag:s10], $0x2000  }
0x2b: {  	s19 =	smov.u32 s21;
	[sflag:s10] =	ssyncset.done $0x0  }
0x2c: {  	s18 =	sshra.s32 s18, $0x2;
	[sflag:s10] =	ssyncadd.s32 $0xFFFFE000  }
0x2d: {  	[tilespmem:s15], [sflag:$0x1] =	stream.indirect.gather [hbm4b:s4+s14], $0x40, s18, s14, $0xb8;
	[tilespmem:$0x10F00] =	vst v63  }
0x2e: {  	_ =	swait.ge [sflag:s16], $0x2000  }
0x2f: {  	[sflag:s16] =	ssyncset.done $0x0  }
0x30: {  	s18 =	sadd.s32 $0x2780, s18;
	[sflag:s16] =	ssyncadd.s32 $0xFFFFE000  }
0x31: {  	[spmem:s2] =	stream.indirect.scatter.add.f32 [tilespmem:s15], [sflag:$0x2], $0x40, s18, s14, $0xb8;
	[tilespmem:$0x10F00] =	vst v63  }
0x32: {  	_ =	swait.ge [sflag:s10], $0x2000  }
0x33: {  	s17 =	sadd.s32 $0x1, s17;
	[sflag:s10] =	ssyncset.done $0x0  }
0x34: {  	p0 =	sne.s32 s17, s9;
	[sflag:s10] =	ssyncadd.s32 $0xFFFFE000  }
.Ltmp1:
0x35: {  	[bflag:$0x0] =	sbarrier.arrive $0xFFFF;
	(pc) =	sbr.rel @p0 .LBB2_1-.Ltmp1, $4  }
0x36: {  	[hbm:s8], [sflag:s12] =	dma.local [spmem:s13], $0x1400  }
0x37: {  	_ =	swait.ge [sflag:s10], $0x1400  }
0x38: {  	[sflag:s10] =	ssyncset.done $0x0  }
0x39: {  	[sflag:s10] =	ssyncadd.s32 $0xFFFFEC00  }
0x3a: {  	_ =	sfence.sel $0x180000  }
0x3b: {  	[bflag:$0x0] =	sbarrier.arrive $0xFFFF  }
0x3c: {  	p0 =	sne.s32 s0, $0x0;
	_ =	strace $0x9000004A  }
0x3d: {  	s0 =	sadd.s32 @!p0 $0x100000, s1;
	[bflag:$0x2] =	sbarrier.arrive $0xFFFF  }
0x3e: {  	[sflag:s0] =	ssyncadd.tile.s32 @!p0 $0x1;
	_ =	shalt  }
.Lfunc_end2:
_tile_overlayer_lowered:
.L_overlay_start_2:
0x3f: {  	(tag) =	ssettag $0x2  }
0x40: {  	s0 =	rddreg [dreg:$0x0];
	s2 =	stileid.u32  }
0x41: {  	s1 =	rddreg [dreg:$0x1];
	p0 =	sne.s32 s2, $0x0  }
0x42: {  	s3 =	rddreg [dreg:$0x2];
	[bflag:$0x3] =	sbarrier.arrive $0xFFFF;
	s2 =	simm.s32 @!p0 $0x1C02  }
0x43: {  	[timem:s3], [sflag:s2] =	dma.local @!p0 [hbm:s0], s1  }
0x44: {  	s0 =	simm.s32 @!p0 $0x2  }
0x45: {  	_ =	swait.ge @!p0 [sflag:s0], s1  }
0x46: {  	s1 =	ssub.s32 @!p0 $0x0, s1;
	[sflag:s0] =	ssyncset.done @!p0 $0x0  }
0x47: {  	[sflag:s0] =	ssyncadd.s32 @!p0 s1  }
0x48: {  	[bflag:$0x3] =	sbarrier.arrive $0xFFFF  }
0x49: {  	_ =	shalt  }

// kernel: kernel.14.cloned.1.call-start
scs
__scs_entry_jumppad:
0x0: {  	(pc) =	sbr.rel $0x88, $3  }
0x1: {  	(tag) =	ssettag $0x0;
	lr =	simm.s32 $0x1  }
0x2: {  	[smem:$0x3F96] =	sst lr;
	_ =	strace $0xD0000000  }
0x3: {  	_ = 	snop  }
0x4: {  	_ = 	snop  }
0x5: {  	_ = 	snop  }
0x6: {  	_ = 	snop  }
0x7: {  	_ = 	snop  }
__scs_overlays_trampoline_lowered:
0x8: {  	[smem:$0x3FA5] =	sst s0  }
0x9: {  	[smem:$0x3FA6] =	sst s1  }
0xa: {  	[smem:$0x3FA7] =	sst s2  }
0xb: {  	[smem:$0x3FA8] =	sst s3  }
0xc: {  	[smem:$0x3FA9] =	sst s4  }
0xd: {  	[smem:$0x3FAA] =	sst s5  }
0xe: {  	[smem:$0x3FAB] =	sst s6  }
0xf: {  	[smem:$0x3FAC] =	sst s7  }
0x10: {  	[smem:$0x3FAD] =	sst s8  }
0x11: {  	[smem:$0x3FAE] =	sst s9;
	s0 =	simm.s32 @!p0 $0x0  }
0x12: {  	s1 =	sld [smem:$0x3F94];
	s0 =	simm.s32 @p0 $0x1  }
0x13: {  	[smem:$0x3FAF] =	sst s0;
	s0 =	simm.s32 @!p1 $0x0  }
0x14: {  	s2 =	sld [smem:$0x3F93];
	s0 =	simm.s32 @p1 $0x1  }
0x15: {  	[smem:$0x3FB0] =	sst s0;
	s0 =	simm.s32 @!p2 $0x0  }
0x16: {  	s3 =	sld [smem:$0x3FDB];
	s0 =	simm.s32 @p2 $0x1  }
0x17: {  	s4 =	simm.s32 $0x1BF5;
	[smem:$0x3FB2] =	sst s0  }
0x18: {  	s0 =	sld [smem:$0x3F95];
	_ =	swait.ge [sflag:s4], $0x0  }
0x19: {  	s7 =	sld [smem:$0x3F96]  }
0x1a: {  	s8 =	sadd.s32 $0xFFFFE003, lr  }
0x1b: {  	s9 =	sadd.s32 $0xFFFFFEF7, lr;
	s5 =	simm.s32 $0xFFFFFFFF;
	p2 =	slt.u32 s8, $0xFFFFF086  }
0x1c: {  	p1 =	slt.u32 s9, $0xF7A;
	s5 =	simm.s32 @!p2 $0x0  }
0x1d: {  	s5 =	simm.s32 @p1 $0x1;
	p0 =	seq.s32 s7, s2  }
0x1e: {  	s7 =	smul.u32 @!p0 $0xF7A, s2;
	p2 =	seq.s32 @!p0 s5, $0x0  }
0x1f: {  	s9 =	smul.u32 $0xF7A, s1;
	s8 =	simm.s32 @!p0 $0x1BF5;
	p2 =	por !p2, p0  }
0x20: {  	[sflag:s8] =	ssyncset.s32 @!p0 $0xFFFFF086;
	s6 =	sadd.s32 @!p0 s3, s7;
	s7 =	simm.s32 @!p0 $0x108  }
0x21: {  	s3 =	sadd.s32 s3, s9;
	s6 =	sadd.s32 @!p0 $0x88, s6;
	s7 =	simm.s32 @p2 $0x1082  }
0x22: {  	[simem:s7], [sflag:s8] =	dma.local @!p0 [hbm:s6], $0xF7A  }
0x23: {  	s9 =	sor.u32 $0xD0000000, s2;
	s6 =	simm.s32 $0x108;
	_ =	swait.ge @!p0 [sflag:s8], $0x0  }
0x24: {  	s3 =	sadd.s32 $0x88, s3;
	s6 =	simm.s32 @!p1 $0x1082;
	[sflag:s4] =	ssyncset.s32 $0xFFFFF086  }
0x25: {  	[simem:s6], [sflag:s4] =	dma.local [hbm:s3], $0xF7A  }
0x26: {  	[smem:$0x3F96] =	sst s1;
	(tag) =	ssettag s2;
	_ =	strace s9  }
0x27: {  	s1 =	sld [smem:$0x3FA6]  }
0x28: {  	s2 =	sld [smem:$0x3FA7]  }
0x29: {  	s4 =	sld [smem:$0x3FA9]  }
0x2a: {  	p0 =	seq.s32 s5, $0x0;
	s5 =	sld [smem:$0x3FAA]  }
0x2b: {  	s6 =	sld [smem:$0x3FAB]  }
0x2c: {  	s7 =	sld [smem:$0x3FAC]  }
0x2d: {  	s3 =	simm.s32 $0x108;
	s8 =	sld [smem:$0x3FAD]  }
0x2e: {  	s3 =	simm.s32 @!p0 $0x1082;
	s9 =	sld [smem:$0x3FAE]  }
0x2f: {  	lr =	sadd.s32 s0, s3;
	s0 =	sld [smem:$0x3FA5]  }
0x30: {  	s3 =	sld [smem:$0x3FA8]  }
0x31: {  	[smem:$0x3FB1] =	sst s10  }
0x32: {  	s10 =	sld [smem:$0x3FAF];
	_ =	sdelay $0x3  }
0x33: {  	p0 =	seq.s32 s10, $0x1;
	s10 =	sld [smem:$0x3FB1];
	_ =	sdelay $0x3  }
0x34: {  	[smem:$0x3FB1] =	sst s10  }
0x35: {  	s10 =	sld [smem:$0x3FB0];
	_ =	sdelay $0x3  }
0x36: {  	p1 =	seq.s32 s10, $0x1;
	s10 =	sld [smem:$0x3FB1];
	_ =	sdelay $0x3  }
0x37: {  	[smem:$0x3FB1] =	sst s10  }
0x38: {  	s10 =	sld [smem:$0x3FB2]  }
0x39: {  	_ = 	snop;
	(pc) =	sbr.ind lr, $3  }
0x3a: {  	_ = 	snop  }
0x3b: {  	_ = 	snop  }
0x3c: {  	p2 =	seq.s32 s10, $0x1;
	s10 =	sld [smem:$0x3FB1]  }
0x3d: {  	_ =	shalt  }
0x3e: {  	_ =	shalt  }
0x3f: {  	_ =	shalt  }
0x40: {  	_ =	shalt  }
0x41: {  	_ =	shalt  }
0x42: {  	_ =	shalt  }
0x43: {  	_ =	shalt  }
0x44: {  	_ =	shalt  }
0x45: {  	_ =	shalt  }
0x46: {  	_ =	shalt  }
0x47: {  	_ =	shalt  }
0x48: {  	_ =	shalt  }
0x49: {  	_ =	shalt  }
0x4a: {  	_ =	shalt  }
0x4b: {  	_ =	shalt  }
0x4c: {  	_ =	shalt  }
0x4d: {  	_ =	shalt  }
0x4e: {  	_ =	shalt  }
0x4f: {  	_ =	shalt  }
0x50: {  	_ =	shalt  }
0x51: {  	_ =	shalt  }
0x52: {  	_ =	shalt  }
0x53: {  	_ =	shalt  }
0x54: {  	_ =	shalt  }
0x55: {  	_ =	shalt  }
0x56: {  	_ =	shalt  }
0x57: {  	_ =	shalt  }
0x58: {  	_ =	shalt  }
0x59: {  	_ =	shalt  }
0x5a: {  	_ =	shalt  }
0x5b: {  	_ =	shalt  }
0x5c: {  	_ =	shalt  }
0x5d: {  	_ =	shalt  }
0x5e: {  	_ =	shalt  }
0x5f: {  	_ =	shalt  }
0x60: {  	_ =	shalt  }
0x61: {  	_ =	shalt  }
0x62: {  	_ =	shalt  }
0x63: {  	_ =	shalt  }
0x64: {  	_ =	shalt  }
0x65: {  	_ =	shalt  }
0x66: {  	_ =	shalt  }
0x67: {  	_ =	shalt  }
0x68: {  	_ =	shalt  }
0x69: {  	_ =	shalt  }
0x6a: {  	_ =	shalt  }
0x6b: {  	_ =	shalt  }
0x6c: {  	_ =	shalt  }
0x6d: {  	_ =	shalt  }
0x6e: {  	_ =	shalt  }
0x6f: {  	_ =	shalt  }
0x70: {  	_ =	shalt  }
0x71: {  	_ =	shalt  }
0x72: {  	_ =	shalt  }
0x73: {  	_ =	shalt  }
0x74: {  	_ =	shalt  }
0x75: {  	_ =	shalt  }
0x76: {  	_ =	shalt  }
0x77: {  	_ =	shalt  }
0x78: {  	_ =	shalt  }
0x79: {  	_ =	shalt  }
0x7a: {  	_ =	shalt  }
0x7b: {  	_ =	shalt  }
0x7c: {  	_ =	shalt  }
0x7d: {  	_ =	shalt  }
0x7e: {  	_ =	shalt  }
0x7f: {  	_ =	shalt  }
0x80: {  	_ =	shalt  }
0x81: {  	_ =	shalt  }
0x82: {  	_ =	shalt  }
0x83: {  	_ =	shalt  }
0x84: {  	_ =	shalt  }
0x85: {  	_ =	shalt  }
0x86: {  	_ =	shalt  }
0x87: {  	_ =	shalt  }
.Lfunc_end0:
.L_simem_size_0:
called_computation.2_lowered:
.L_overlay_start_0:
0x88: {  	s2 =	sld [smem:$0x3FD9]  }
0x89: {  	s3 =	sld [smem:$0x3FFE];
	_ =	sdelay $0x1  }
0x8a: {  	s1 =	srdreg.scid  }
0x8b: {  	s0 =	sand.u32 $0x1, s1  }
0x8c: {  	s16 =	sshll.u32 s0, $0xA;
	s2 =	sadd.s32 s3, s2  }
0x8d: {  	s2 =	sadd.s32 s2, s16  }
0x8e: {  	[smem:$0x3FBD] =	sst s2  }
0x8f: {  	_ = 	snop  }
0x90: {  	(tm) =	ssettm $0x1  }
0x91: {  	s17 =	sld [smem:$0x3FFB];
	_ =	sdelay $0x3  }
0x92: {  	_ =	strace s17  }
0x93: {  	s2 =	sld [smem:$0x3FFC];
	_ =	sdelay $0x3  }
0x94: {  	_ =	strace s2  }
0x95: {  	s2 =	sld [smem:$0x3FFD];
	_ =	sdelay $0x3  }
0x96: {  	_ =	strace s2  }
0x97: {  	_ =	strace $0x8FFFFFFF  }
0x98: {  	s18 =	sld [smem:$0x3FDB];
	_ =	sdelay $0x1  }
0x99: {  	s19 =	simm.s32 $_scs_section_size  }
0x9a: {  	s4 =	simm.s32 $_size__tile_overlayer_lowered;
	s5 =	simm.s32 $_tile_overlayer_lowered  }
0x9b: {  	s22 =	simm.s32 $0x1BFF;
	s21 =	sshll.u32 s5, $0x1;
	s2 =	sadd.s32 s19, s18  }
0x9c: {  	s6 =	simm.s32 $0x0;
	s20 =	sshll.u32 s4, $0x1;
	s4 =	sadd.s32 s21, s2  }
0x9d: {  	[timem:s6], [sflag:s22] =	dma.local [hbm:s4], s20  }
0x9e: {  	_ =	swait.ge [sflag:s22], s20  }
0x9f: {  	s3 =	ssub.s32 $0x0, s20;
	[sflag:s22] =	ssyncset.done $0x0  }
0xa0: {  	[sflag:s22] =	ssyncadd.s32 s3;
	_ =	sdelay $0x1  }
0xa1: {  	s23 =	simm.s32 $0x1B8B  }
0xa2: {  	_ =	swait.ge [sflag:s23], $0x1  }
0xa3: {  	[sflag:s23] =	ssyncset.done $0x0  }
0xa4: {  	s25 =	simm.s32 $0x1B8E;
	s24 =	sld [smem:$0x3FFE];
	[sflag:s23] =	ssyncadd.s32 $0xFFFFFFFF  }
0xa5: {  	s26 =	simm.s32 $execute0_lowered;
	[smem:$0x3FD2] =	sst s25  }
0xa6: {  	s4 =	sshll.u32 s26, $0x1;
	_ =	strace $0x8000004C;
	[dreg:$0x1] =	wrdreg $0xFFFFFFFF  }
0xa7: {  	s28 =	simm.s32 $_size_execute0_lowered;
	s2 =	sadd.s32 s2, s4;
	[dreg:$0x0] =	wrdreg $0x0  }
0xa8: {  	s4 =	sshll.u32 s28, $0x1;
	[dreg:$0x2] =	wrdreg s2  }
0xa9: {  	[dreg:$0x3] =	wrdreg s4  }
0xaa: {  	[dreg:$0x4] =	wrdreg $0xC0  }
0xab: {  	_ =	task [dreg:s6], $0x5FFFF  }
0xac: {  	[dreg:$0x1] =	wrdreg $0xFFFFFFFF  }
0xad: {  	[dreg:$0x0] =	wrdreg $0x60  }
0xae: {  	[dreg:$0x2] =	wrdreg s24  }
0xaf: {  	[dreg:$0x3] =	wrdreg $0x6F000  }
0xb0: {  	[dreg:$0x4] =	wrdreg $0x9  }
0xb1: {  	_ =	task.clear_ibuf [dreg:s6], $0x5FFFF;
	_ =	strace $0x9000004C  }
0xb2: {  	s29 =	simm.s32 $0x9;
	_ =	strace $0x8000004E  }
0xb3: {  	_ =	swait.ge [sflag:s29], $0x1  }
0xb4: {  	[sflag:s29] =	ssyncadd.s32 $0xFFFFFFFF  }
0xb5: {  	_ =	strace $0x9000004E  }
0xb6: {  	_ =	sfence  }
0xb7: {  	s30 =	sld [smem:$0x0];
	_ =	sdelay $0x2  }
0xb8: {  	s31 =	sshll.u32 s1, $0xD;
	s1 =	sshrl.u32 s1, $0x2  }
0xb9: {  	s3 =	sand.u32 $0x4000, s31;
	s1 =	sadd.s32 s1, s30  }
0xba: {  	s0 =	sor.u32 s3, s0;
	s1 =	sshll.u32 s1, $0x11  }
0xbb: {  	s0 =	sor.u32 s1, s0  }
0xbc: {  	s0 =	sadd.s32 $0x8F2B, s0  }
0xbd: {  	[sflag:s0] =	ssyncadd.remote.s32 $0x1  }
0xbe: {  	_ =	sfence.sel $0xFFFF  }
0xbf: {  	[dreg:$0x0] =	wrdreg $0xFFFFFFFF;
	(pc) =	sbr.abs _section_cstart, $3  }
0xc0: {  	[dreg:$0x1] =	wrdreg $0xFFFFFFFF  }
0xc1: {  	_ =	task.clear_ibuf [dreg:s6], $0x2FFFF;
	_ =	strace $0x9FFFFFFF  }
0xc2: {  	(tm) =	ssettm $0x7FFFFFFF  }
0xc3: {  	_ =	shalt  }
tec
execute0_lowered:
.L_overlay_start_1:
0x0: {  	(tag) =	ssettag $0x1  }
0x1: {  	s1 =	srdreg.scid  }
0x2: {  	s0 =	stileid.u32;
	s6 =	rddreg [dreg:$0x0]  }
0x3: {  	s2 =	rddreg [dreg:$0x1];
	s3 =	simm.s32 $0x0;
	s14 =	simm.s32 $0x80  }
0x4: {  	s15 =	simm.s32 $0x4F00;
	s16 =	simm.s32 $0x1;
	s17 =	simm.s32 $0x0  }
0x5: {  	s5 =	sand.u32 $0x1, s1;
	s31 =	sshll.u32 s0, $0x1;
	s8 =	smul.u32 $0xA000, s0  }
0x6: {  	[smem:$0x7FF] =	sst s3;
	s4 =	sadd.s32 $0x24E00, s6;
	s12 =	sshll.u32 s0, $0x6  }
0x7: {  	s1 =	sor.u32 s5, s31;
	s9 =	smul.u32 $0xA0000, s5;
	s5 =	ssub.s32 $0x2, s5  }
0x8: {  	s12 =	sor.u32 $0x1C02, s12;
	s7 =	smul.u32 $0x4F0, s1;
	s1 =	rddreg [dreg:$0x2]  }
0x9: {  	_ =	strace $0x8000004D;
	s10 =	sshrl.u32 s8, $0x3;
	s11 =	sshrl.u32 s5, $0x1  }
0xa: {  	s13 =	sadd.s32 s8, s2;
	s9 =	sadd.s32 s8, s9;
	s10 =	sadd.s32 s10, s6  }
0xb: {  	s11 =	ssub.s32 s5, s11;
	s7 =	sadd.s32 s7, s6;
	s9 =	sshrl.u32 s9, $0x3  }
0xc: {  	s13 =	sshrl.u32 s13, $0x3;
	s9 =	sadd.s32 s9, s6;
	s5 =	sadd.s32 $0x1B000, s7  }
0xd: {  	s6 =	sadd.s32 $0x2200, s7;
	s7 =	sadd.s32 $0x38800, s10;
	s10 =	simm.s32 $0x2  }
0xe: {  	s8 =	sadd.s32 $0x4C800, s9;
	s9 =	smax.u32 s11, $0x1;
	s11 =	simm.s32 $0x2780  }
.LBB2_1:
0xf: {  	[tilespmem:s3], [sflag:$0x2] =	stream.linear.gather [hbm4b:s5+s3], $0x2780, $0x38;
	[tilespmem:$0x10F00] =	vst v63  }
0x10: {  	_ =	swait.ge [sflag:s10], $0x2780  }
0x11: {  	[sflag:s10] =	ssyncset.done $0x0  }
0x12: {  	[sflag:s10] =	ssyncadd.s32 $0xFFFFD880  }
0x13: {  	[tilespmem:s11], [sflag:$0x2] =	stream.linear.gather [hbm4b:s6+s3], $0x2780, $0x38;
	[tilespmem:$0x10F00] =	vst v63  }
0x14: {  	_ =	swait.ge [sflag:s10], $0x2780  }
0x15: {  	[sflag:s10] =	ssyncset.done $0x0  }
0x16: {  	[sflag:s10] =	ssyncadd.s32 $0xFFFFD880  }
0x17: {  	[spmem:s13], [sflag:s12] =	dma.local [hbm:s7], $0x1400  }
0x18: {  	_ =	swait.ge [sflag:s10], $0x1400  }
0x19: {  	[sflag:s10] =	ssyncset.done $0x0  }
0x1a: {  	[sflag:s10] =	ssyncadd.s32 $0xFFFFEC00  }
0x1b: {  	s18 =	simm.s32 $0x0;
	[bflag:$0x0] =	sbarrier.arrive $0xFFFF  }
0x1c: {  	[tilespmem:s15], [sflag:$0x1] =	stream.indirect.gather [hbm4b:s4+s14], $0x40, s18, s14, $0xb8;
	[tilespmem:$0x10F00] =	vst v63  }
0x1d: {  	_ =	swait.ge [sflag:s16], $0x2000  }
0x1e: {  	[sflag:s16] =	ssyncset.done $0x0  }
0x1f: {  	s31 =	simm.s32 $0x2780;
	[sflag:s16] =	ssyncadd.s32 $0xFFFFE000  }
0x20: {  	[spmem:s2] =	stream.indirect.scatter.add.f32 [tilespmem:s15], [sflag:$0x2], $0x40, s31, s14, $0xb8;
	[tilespmem:$0x10F00] =	vst v63  }
0x21: {  	_ =	swait.ge [sflag:s10], $0x2000  }
0x22: {  	s19 =	simm.s32 $0x400;
	s18 =	simm.s32 $0x200;
	[sflag:s10] =	ssyncset.done $0x0  }
.LBB2_2:
0x23: {  	s20 =	sshra.s32 s18, $0x2  }
0x24: {  	[sflag:s10] =	ssyncadd.s32 $0xFFFFE000;
	s18 =	smov.u32 s19;
	s21 =	sadd.s32 $0x200, s19  }
0x25: {  	[tilespmem:s15], [sflag:$0x1] =	stream.indirect.gather [hbm4b:s4+s14], $0x40, s20, s14, $0xb8;
	[tilespmem:$0x10F00] =	vst v63  }
0x26: {  	p0 =	sne.s32 s19, $0x9C00;
	_ =	swait.ge [sflag:s16], $0x2000  }
.Ltmp0:
0x27: {  	[sflag:s16] =	ssyncset.done $0x0;
	(pc) =	sbr.rel @p0 .LBB2_2-.Ltmp0, $4  }
0x28: {  	s19 =	sadd.s32 $0x2780, s20;
	[sflag:s16] =	ssyncadd.s32 $0xFFFFE000  }
0x29: {  	[spmem:s2] =	stream.indirect.scatter.add.f32 [tilespmem:s15], [sflag:$0x2], $0x40, s19, s14, $0xb8;
	[tilespmem:$0x10F00] =	vst v63  }
0x2a: {  	_ =	swait.ge [sflag:s10], $0x2000  }
0x2b: {  	s19 =	smov.u32 s21;
	[sflag:s10] =	ssyncset.done $0x0  }
0x2c: {  	s18 =	sshra.s32 s18, $0x2;
	[sflag:s10] =	ssyncadd.s32 $0xFFFFE000  }
0x2d: {  	[tilespmem:s15], [sflag:$0x1] =	stream.indirect.gather [hbm4b:s4+s14], $0x40, s18, s14, $0xb8;
	[tilespmem:$0x10F00] =	vst v63  }
0x2e: {  	_ =	swait.ge [sflag:s16], $0x2000  }
0x2f: {  	[sflag:s16] =	ssyncset.done $0x0  }
0x30: {  	s18 =	sadd.s32 $0x2780, s18;
	[sflag:s16] =	ssyncadd.s32 $0xFFFFE000  }
0x31: {  	[spmem:s2] =	stream.indirect.scatter.add.f32 [tilespmem:s15], [sflag:$0x2], $0x40, s18, s14, $0xb8;
	[tilespmem:$0x10F00] =	vst v63  }
0x32: {  	_ =	swait.ge [sflag:s10], $0x2000  }
0x33: {  	s17 =	sadd.s32 $0x1, s17;
	[sflag:s10] =	ssyncset.done $0x0  }
0x34: {  	p0 =	sne.s32 s17, s9;
	[sflag:s10] =	ssyncadd.s32 $0xFFFFE000  }
.Ltmp1:
0x35: {  	[bflag:$0x0] =	sbarrier.arrive $0xFFFF;
	(pc) =	sbr.rel @p0 .LBB2_1-.Ltmp1, $4  }
0x36: {  	[hbm:s8], [sflag:s12] =	dma.local [spmem:s13], $0x1400  }
0x37: {  	_ =	swait.ge [sflag:s10], $0x1400  }
0x38: {  	[sflag:s10] =	ssyncset.done $0x0  }
0x39: {  	[sflag:s10] =	ssyncadd.s32 $0xFFFFEC00  }
0x3a: {  	_ =	sfence.sel $0x180000  }
0x3b: {  	[bflag:$0x0] =	sbarrier.arrive $0xFFFF  }
0x3c: {  	p0 =	sne.s32 s0, $0x0;
	_ =	strace $0x9000004D  }
0x3d: {  	s0 =	sadd.s32 @!p0 $0x100000, s1;
	[bflag:$0x2] =	sbarrier.arrive $0xFFFF  }
0x3e: {  	[sflag:s0] =	ssyncadd.tile.s32 @!p0 $0x1;
	_ =	shalt  }
.Lfunc_end2:
_tile_overlayer_lowered:
.L_overlay_start_2:
0x3f: {  	(tag) =	ssettag $0x2  }
0x40: {  	s0 =	rddreg [dreg:$0x0];
	s2 =	stileid.u32  }
0x41: {  	s1 =	rddreg [dreg:$0x1];
	p0 =	sne.s32 s2, $0x0  }
0x42: {  	s3 =	rddreg [dreg:$0x2];
	[bflag:$0x3] =	sbarrier.arrive $0xFFFF;
	s2 =	simm.s32 @!p0 $0x1C02  }
0x43: {  	[timem:s3], [sflag:s2] =	dma.local @!p0 [hbm:s0], s1  }
0x44: {  	s0 =	simm.s32 @!p0 $0x2  }
0x45: {  	_ =	swait.ge @!p0 [sflag:s0], s1  }
0x46: {  	s1 =	ssub.s32 @!p0 $0x0, s1;
	[sflag:s0] =	ssyncset.done @!p0 $0x0  }
0x47: {  	[sflag:s0] =	ssyncadd.s32 @!p0 s1  }
0x48: {  	[bflag:$0x3] =	sbarrier.arrive $0xFFFF  }
0x49: {  	_ =	shalt  }

// kernel: kernel.8.cloned.1.call-start
scs
__scs_entry_jumppad:
0x0: {  	(pc) =	sbr.rel $0x88, $3  }
0x1: {  	(tag) =	ssettag $0x0;
	lr =	simm.s32 $0x1  }
0x2: {  	[smem:$0x3F96] =	sst lr;
	_ =	strace $0xD0000000  }
0x3: {  	_ = 	snop  }
0x4: {  	_ = 	snop  }
0x5: {  	_ = 	snop  }
0x6: {  	_ = 	snop  }
0x7: {  	_ = 	snop  }
__scs_overlays_trampoline_lowered:
0x8: {  	[smem:$0x3FA5] =	sst s0  }
0x9: {  	[smem:$0x3FA6] =	sst s1  }
0xa: {  	[smem:$0x3FA7] =	sst s2  }
0xb: {  	[smem:$0x3FA8] =	sst s3  }
0xc: {  	[smem:$0x3FA9] =	sst s4  }
0xd: {  	[smem:$0x3FAA] =	sst s5  }
0xe: {  	[smem:$0x3FAB] =	sst s6  }
0xf: {  	[smem:$0x3FAC] =	sst s7  }
0x10: {  	[smem:$0x3FAD] =	sst s8  }
0x11: {  	[smem:$0x3FAE] =	sst s9;
	s0 =	simm.s32 @!p0 $0x0  }
0x12: {  	s1 =	sld [smem:$0x3F94];
	s0 =	simm.s32 @p0 $0x1  }
0x13: {  	[smem:$0x3FAF] =	sst s0;
	s0 =	simm.s32 @!p1 $0x0  }
0x14: {  	s2 =	sld [smem:$0x3F93];
	s0 =	simm.s32 @p1 $0x1  }
0x15: {  	[smem:$0x3FB0] =	sst s0;
	s0 =	simm.s32 @!p2 $0x0  }
0x16: {  	s3 =	sld [smem:$0x3FDB];
	s0 =	simm.s32 @p2 $0x1  }
0x17: {  	s4 =	simm.s32 $0x1BF5;
	[smem:$0x3FB2] =	sst s0  }
0x18: {  	s0 =	sld [smem:$0x3F95];
	_ =	swait.ge [sflag:s4], $0x0  }
0x19: {  	s7 =	sld [smem:$0x3F96]  }
0x1a: {  	s8 =	sadd.s32 $0xFFFFE003, lr  }
0x1b: {  	s9 =	sadd.s32 $0xFFFFFEF7, lr;
	s5 =	simm.s32 $0xFFFFFFFF;
	p2 =	slt.u32 s8, $0xFFFFF086  }
0x1c: {  	p1 =	slt.u32 s9, $0xF7A;
	s5 =	simm.s32 @!p2 $0x0  }
0x1d: {  	s5 =	simm.s32 @p1 $0x1;
	p0 =	seq.s32 s7, s2  }
0x1e: {  	s7 =	smul.u32 @!p0 $0xF7A, s2;
	p2 =	seq.s32 @!p0 s5, $0x0  }
0x1f: {  	s9 =	smul.u32 $0xF7A, s1;
	s8 =	simm.s32 @!p0 $0x1BF5;
	p2 =	por !p2, p0  }
0x20: {  	[sflag:s8] =	ssyncset.s32 @!p0 $0xFFFFF086;
	s6 =	sadd.s32 @!p0 s3, s7;
	s7 =	simm.s32 @!p0 $0x108  }
0x21: {  	s3 =	sadd.s32 s3, s9;
	s6 =	sadd.s32 @!p0 $0x88, s6;
	s7 =	simm.s32 @p2 $0x1082  }
0x22: {  	[simem:s7], [sflag:s8] =	dma.local @!p0 [hbm:s6], $0xF7A  }
0x23: {  	s9 =	sor.u32 $0xD0000000, s2;
	s6 =	simm.s32 $0x108;
	_ =	swait.ge @!p0 [sflag:s8], $0x0  }
0x24: {  	s3 =	sadd.s32 $0x88, s3;
	s6 =	simm.s32 @!p1 $0x1082;
	[sflag:s4] =	ssyncset.s32 $0xFFFFF086  }
0x25: {  	[simem:s6], [sflag:s4] =	dma.local [hbm:s3], $0xF7A  }
0x26: {  	[smem:$0x3F96] =	sst s1;
	(tag) =	ssettag s2;
	_ =	strace s9  }
0x27: {  	s1 =	sld [smem:$0x3FA6]  }
0x28: {  	s2 =	sld [smem:$0x3FA7]  }
0x29: {  	s4 =	sld [smem:$0x3FA9]  }
0x2a: {  	p0 =	seq.s32 s5, $0x0;
	s5 =	sld [smem:$0x3FAA]  }
0x2b: {  	s6 =	sld [smem:$0x3FAB]  }
0x2c: {  	s7 =	sld [smem:$0x3FAC]  }
0x2d: {  	s3 =	simm.s32 $0x108;
	s8 =	sld [smem:$0x3FAD]  }
0x2e: {  	s3 =	simm.s32 @!p0 $0x1082;
	s9 =	sld [smem:$0x3FAE]  }
0x2f: {  	lr =	sadd.s32 s0, s3;
	s0 =	sld [smem:$0x3FA5]  }
0x30: {  	s3 =	sld [smem:$0x3FA8]  }
0x31: {  	[smem:$0x3FB1] =	sst s10  }
0x32: {  	s10 =	sld [smem:$0x3FAF];
	_ =	sdelay $0x3  }
0x33: {  	p0 =	seq.s32 s10, $0x1;
	s10 =	sld [smem:$0x3FB1];
	_ =	sdelay $0x3  }
0x34: {  	[smem:$0x3FB1] =	sst s10  }
0x35: {  	s10 =	sld [smem:$0x3FB0];
	_ =	sdelay $0x3  }
0x36: {  	p1 =	seq.s32 s10, $0x1;
	s10 =	sld [smem:$0x3FB1];
	_ =	sdelay $0x3  }
0x37: {  	[smem:$0x3FB1] =	sst s10  }
0x38: {  	s10 =	sld [smem:$0x3FB2]  }
0x39: {  	_ = 	snop;
	(pc) =	sbr.ind lr, $3  }
0x3a: {  	_ = 	snop  }
0x3b: {  	_ = 	snop  }
0x3c: {  	p2 =	seq.s32 s10, $0x1;
	s10 =	sld [smem:$0x3FB1]  }
0x3d: {  	_ =	shalt  }
0x3e: {  	_ =	shalt  }
0x3f: {  	_ =	shalt  }
0x40: {  	_ =	shalt  }
0x41: {  	_ =	shalt  }
0x42: {  	_ =	shalt  }
0x43: {  	_ =	shalt  }
0x44: {  	_ =	shalt  }
0x45: {  	_ =	shalt  }
0x46: {  	_ =	shalt  }
0x47: {  	_ =	shalt  }
0x48: {  	_ =	shalt  }
0x49: {  	_ =	shalt  }
0x4a: {  	_ =	shalt  }
0x4b: {  	_ =	shalt  }
0x4c: {  	_ =	shalt  }
0x4d: {  	_ =	shalt  }
0x4e: {  	_ =	shalt  }
0x4f: {  	_ =	shalt  }
0x50: {  	_ =	shalt  }
0x51: {  	_ =	shalt  }
0x52: {  	_ =	shalt  }
0x53: {  	_ =	shalt  }
0x54: {  	_ =	shalt  }
0x55: {  	_ =	shalt  }
0x56: {  	_ =	shalt  }
0x57: {  	_ =	shalt  }
0x58: {  	_ =	shalt  }
0x59: {  	_ =	shalt  }
0x5a: {  	_ =	shalt  }
0x5b: {  	_ =	shalt  }
0x5c: {  	_ =	shalt  }
0x5d: {  	_ =	shalt  }
0x5e: {  	_ =	shalt  }
0x5f: {  	_ =	shalt  }
0x60: {  	_ =	shalt  }
0x61: {  	_ =	shalt  }
0x62: {  	_ =	shalt  }
0x63: {  	_ =	shalt  }
0x64: {  	_ =	shalt  }
0x65: {  	_ =	shalt  }
0x66: {  	_ =	shalt  }
0x67: {  	_ =	shalt  }
0x68: {  	_ =	shalt  }
0x69: {  	_ =	shalt  }
0x6a: {  	_ =	shalt  }
0x6b: {  	_ =	shalt  }
0x6c: {  	_ =	shalt  }
0x6d: {  	_ =	shalt  }
0x6e: {  	_ =	shalt  }
0x6f: {  	_ =	shalt  }
0x70: {  	_ =	shalt  }
0x71: {  	_ =	shalt  }
0x72: {  	_ =	shalt  }
0x73: {  	_ =	shalt  }
0x74: {  	_ =	shalt  }
0x75: {  	_ =	shalt  }
0x76: {  	_ =	shalt  }
0x77: {  	_ =	shalt  }
0x78: {  	_ =	shalt  }
0x79: {  	_ =	shalt  }
0x7a: {  	_ =	shalt  }
0x7b: {  	_ =	shalt  }
0x7c: {  	_ =	shalt  }
0x7d: {  	_ =	shalt  }
0x7e: {  	_ =	shalt  }
0x7f: {  	_ =	shalt  }
0x80: {  	_ =	shalt  }
0x81: {  	_ =	shalt  }
0x82: {  	_ =	shalt  }
0x83: {  	_ =	shalt  }
0x84: {  	_ =	shalt  }
0x85: {  	_ =	shalt  }
0x86: {  	_ =	shalt  }
0x87: {  	_ =	shalt  }
.Lfunc_end0:
.L_simem_size_0:
called_computation_lowered:
.L_overlay_start_0:
0x88: {  	s2 =	sld [smem:$0x3FD9]  }
0x89: {  	s3 =	sld [smem:$0x3FFE];
	_ =	sdelay $0x1  }
0x8a: {  	s1 =	srdreg.scid  }
0x8b: {  	s0 =	sand.u32 $0x1, s1  }
0x8c: {  	s14 =	sshll.u32 s0, $0xA;
	s2 =	sadd.s32 s3, s2  }
0x8d: {  	s2 =	sadd.s32 s2, s14  }
0x8e: {  	[smem:$0x3FBD] =	sst s2  }
0x8f: {  	_ = 	snop  }
0x90: {  	s2 =	sld [smem:$0x3FD0];
	_ =	sdelay $0x2  }
0x91: {  	s15 =	simm.s32 $0xA;
	s4 =	simm.s32 $0x10  }
0x92: {  	[smem:s4], [sflag:s15] =	dma.local [hbm:s2], $0x1  }
0x93: {  	_ =	swait.eq [sflag:s15], $0x1  }
0x94: {  	[sflag:s15] =	ssyncset.done $0x0  }
0x95: {  	[sflag:s15] =	ssyncadd.s32 $0xFFFFFFFF  }
0x96: {  	s16 =	sld [smem:$0x12];
	(tm) =	ssettm $0x1  }
0x97: {  	s17 =	sld [smem:$0x3FFB];
	_ =	sdelay $0x3  }
0x98: {  	_ =	strace s17  }
0x99: {  	s3 =	sld [smem:$0x3FFC];
	_ =	sdelay $0x3  }
0x9a: {  	_ =	strace s3  }
0x9b: {  	s3 =	sld [smem:$0x3FFD];
	_ =	sdelay $0x3  }
0x9c: {  	_ =	strace s3  }
0x9d: {  	_ =	strace $0x8FFFFFFF  }
0x9e: {  	s18 =	sld [smem:$0x3FDB];
	_ =	sdelay $0x1  }
0x9f: {  	s19 =	simm.s32 $_scs_section_size  }
0xa0: {  	s5 =	simm.s32 $_size__tile_overlayer_lowered;
	s6 =	simm.s32 $_tile_overlayer_lowered  }
0xa1: {  	s22 =	simm.s32 $0x1BFF;
	s21 =	sshll.u32 s6, $0x1;
	s3 =	sadd.s32 s19, s18  }
0xa2: {  	s7 =	simm.s32 $0x0;
	s20 =	sshll.u32 s5, $0x1;
	s5 =	sadd.s32 s21, s3  }
0xa3: {  	[timem:s7], [sflag:s22] =	dma.local [hbm:s5], s20  }
0xa4: {  	_ =	swait.ge [sflag:s22], s20  }
0xa5: {  	s4 =	ssub.s32 $0x0, s20;
	[sflag:s22] =	ssyncset.done $0x0  }
0xa6: {  	[sflag:s22] =	ssyncadd.s32 s4;
	_ =	sdelay $0x1  }
0xa7: {  	s23 =	simm.s32 $0x1B8B  }
0xa8: {  	_ =	swait.ge [sflag:s23], $0x1  }
0xa9: {  	[sflag:s23] =	ssyncset.done $0x0  }
0xaa: {  	s25 =	simm.s32 $0x1B8E;
	s24 =	sld [smem:$0x3FFE];
	[sflag:s23] =	ssyncadd.s32 $0xFFFFFFFF  }
0xab: {  	s26 =	simm.s32 $execute0_lowered;
	[smem:$0x3FD2] =	sst s25  }
0xac: {  	s5 =	sshll.u32 s26, $0x1;
	_ =	strace $0x80000046;
	[dreg:$0x1] =	wrdreg $0xFFFFFFFF  }
0xad: {  	s28 =	simm.s32 $_size_execute0_lowered;
	s3 =	sadd.s32 s3, s5;
	[dreg:$0x0] =	wrdreg $0x0  }
0xae: {  	s5 =	sshll.u32 s28, $0x1;
	[dreg:$0x2] =	wrdreg s3  }
0xaf: {  	[dreg:$0x3] =	wrdreg s5  }
0xb0: {  	[dreg:$0x4] =	wrdreg $0xC0  }
0xb1: {  	_ =	task [dreg:s7], $0x5FFFF  }
0xb2: {  	[dreg:$0x1] =	wrdreg $0xFFFFFFFF  }
0xb3: {  	[dreg:$0x0] =	wrdreg $0x60  }
0xb4: {  	[dreg:$0x2] =	wrdreg s24  }
0xb5: {  	[dreg:$0x3] =	wrdreg s16  }
0xb6: {  	[dreg:$0x4] =	wrdreg $0x2F800  }
0xb7: {  	[dreg:$0x5] =	wrdreg $0x9  }
0xb8: {  	_ =	task.clear_ibuf [dreg:s7], $0x6FFFF;
	_ =	strace $0x90000046  }
0xb9: {  	s29 =	simm.s32 $0x9;
	_ =	strace $0x80000048  }
0xba: {  	_ =	swait.ge [sflag:s29], $0x1  }
0xbb: {  	[sflag:s29] =	ssyncadd.s32 $0xFFFFFFFF  }
0xbc: {  	_ =	strace $0x90000048  }
0xbd: {  	_ =	sfence  }
0xbe: {  	s30 =	sld [smem:$0x0];
	_ =	sdelay $0x2  }
0xbf: {  	s31 =	sshll.u32 s1, $0xD;
	s1 =	sshrl.u32 s1, $0x2  }
0xc0: {  	s3 =	sand.u32 $0x4000, s31;
	s1 =	sadd.s32 s1, s30  }
0xc1: {  	s0 =	sor.u32 s3, s0;
	s1 =	sshll.u32 s1, $0x11  }
0xc2: {  	s0 =	sor.u32 s1, s0  }
0xc3: {  	s0 =	sadd.s32 $0x8F2B, s0  }
0xc4: {  	[sflag:s0] =	ssyncadd.remote.s32 $0x1  }
0xc5: {  	_ =	sfence.sel $0xFFFF  }
0xc6: {  	[dreg:$0x0] =	wrdreg $0xFFFFFFFF;
	(pc) =	sbr.abs _section_cstart, $3  }
0xc7: {  	[dreg:$0x1] =	wrdreg $0xFFFFFFFF  }
0xc8: {  	_ =	task.clear_ibuf [dreg:s7], $0x2FFFF;
	_ =	strace $0x9FFFFFFF  }
0xc9: {  	(tm) =	ssettm $0x7FFFFFFF  }
tec
execute0_lowered:
.L_overlay_start_1:
0x0: {  	(tag) =	ssettag $0x1  }
0x1: {  	s5 =	rddreg [dreg:$0x0]  }
0x2: {  	s1 =	srdreg.scid;
	s2 =	rddreg [dreg:$0x1]  }
0x3: {  	s0 =	stileid.u32;
	s3 =	rddreg [dreg:$0x2];
	s4 =	simm.s32 $0x0  }
0x4: {  	s13 =	simm.s32 $0x80;
	s14 =	simm.s32 $0x0;
	s6 =	sand.u32 $0x1, s1  }
0x5: {  	s30 =	sshll.u32 s0, $0x1;
	s8 =	smul.u32 $0x2800, s0;
	[smem:$0x7FF] =	sst s4  }
0x6: {  	s31 =	sshll.u32 s0, $0x6;
	s1 =	sor.u32 s6, s30;
	s9 =	smul.u32 $0x28000, s6  }
0x7: {  	s6 =	ssub.s32 $0x2, s6;
	s7 =	smul.u32 $0x4F0, s1;
	s1 =	rddreg [dreg:$0x3]  }
0x8: {  	_ =	strace $0x80000047;
	s10 =	sshrl.u32 s8, $0x3;
	s11 =	sshrl.u32 s6, $0x1  }
0x9: {  	s12 =	sadd.s32 s8, s3;
	s9 =	sadd.s32 s8, s9;
	s10 =	sadd.s32 s10, s5  }
0xa: {  	s11 =	ssub.s32 s6, s11;
	s12 =	sshrl.u32 s12, $0x3;
	s7 =	sadd.s32 s7, s5  }
0xb: {  	s9 =	sshrl.u32 s9, $0x3;
	s6 =	sadd.s32 $0xC000, s10;
	s8 =	smax.u32 s11, $0x1  }
0xc: {  	s10 =	simm.s32 $0x2780;
	s11 =	sor.u32 $0x1C01, s31;
	s9 =	sadd.s32 s9, s5  }
0xd: {  	s5 =	sadd.s32 $0x2200, s7;
	s7 =	sadd.s32 $0x11000, s9;
	s9 =	simm.s32 $0x1  }
.LBB2_1:
0xe: {  	[tilespmem:s4], [sflag:$0x1] =	stream.linear.gather [hbm4b:s5+s4], $0x2780, $0x38;
	[tilespmem:$0x5780] =	vst v63  }
0xf: {  	_ =	swait.ge [sflag:s9], $0x2780  }
0x10: {  	[sflag:s9] =	ssyncset.done $0x0  }
0x11: {  	[sflag:s9] =	ssyncadd.s32 $0xFFFFD880  }
0x12: {  	[tilespmem:s10], [sflag:$0x1] =	stream.linear.gather [hbm4b:s2+s4], $0x800, $0x38;
	[tilespmem:$0x5780] =	vst v63  }
0x13: {  	_ =	swait.ge [sflag:s9], $0x800  }
0x14: {  	[sflag:s9] =	ssyncset.done $0x0  }
0x15: {  	[sflag:s9] =	ssyncadd.s32 $0xFFFFF800  }
0x16: {  	[spmem:s12], [sflag:s11] =	dma.local [hbm:s6], $0x500  }
0x17: {  	_ =	swait.ge [sflag:s9], $0x500  }
0x18: {  	[sflag:s9] =	ssyncset.done $0x0  }
0x19: {  	[sflag:s9] =	ssyncadd.s32 $0xFFFFFB00  }
0x1a: {  	s15 =	simm.s32 $0x0;
	[bflag:$0x0] =	sbarrier.arrive $0xFFFF  }
0x1b: {  	[spmem:s3] =	stream.indirect.scatter.add.f32 [tilespmem:s10], [sflag:$0x1], $0x10, s15, s13, $0xb8;
	[tilespmem:$0x5780] =	vst v63  }
0x1c: {  	_ =	swait.ge [sflag:s9], $0x800  }
0x1d: {  	s15 =	simm.s32 $0x200;
	[sflag:s9] =	ssyncset.done $0x0  }
.LBB2_2:
0x1e: {  	s16 =	sshra.s32 s15, $0x2;
	[sflag:s9] =	ssyncadd.s32 $0xFFFFF800;
	p0 =	sne.s32 s15, $0x9C00  }
0x1f: {  	[spmem:s3] =	stream.indirect.scatter.add.f32 [tilespmem:s10], [sflag:$0x1], $0x10, s16, s13, $0xb8;
	[tilespmem:$0x5780] =	vst v63  }
.Ltmp0:
0x20: {  	_ = 	snop;
	(pc) =	sbr.rel @p0 .LBB2_2-.Ltmp0, $4  }
0x21: {  	_ = 	snop  }
0x22: {  	s15 =	sadd.s32 $0x200, s15  }
0x23: {  	_ =	swait.ge [sflag:s9], $0x800  }
0x24: {  	[sflag:s9] =	ssyncset.done $0x0  }
0x25: {  	s14 =	sadd.s32 $0x1, s14  }
0x26: {  	[sflag:s9] =	ssyncadd.s32 $0xFFFFF800;
	p0 =	sne.s32 s14, s8  }
.Ltmp1:
0x27: {  	[bflag:$0x0] =	sbarrier.arrive $0xFFFF;
	(pc) =	sbr.rel @p0 .LBB2_1-.Ltmp1, $4  }
0x28: {  	[hbm:s7], [sflag:s11] =	dma.local [spmem:s12], $0x500  }
0x29: {  	_ =	swait.ge [sflag:s9], $0x500  }
0x2a: {  	[sflag:s9] =	ssyncset.done $0x0  }
0x2b: {  	[sflag:s9] =	ssyncadd.s32 $0xFFFFFB00  }
0x2c: {  	_ =	sfence.sel $0x180000  }
0x2d: {  	[bflag:$0x0] =	sbarrier.arrive $0xFFFF  }
0x2e: {  	p0 =	sne.s32 s0, $0x0;
	_ =	strace $0x90000047  }
0x2f: {  	s0 =	sadd.s32 @!p0 $0x100000, s1;
	[bflag:$0x2] =	sbarrier.arrive $0xFFFF  }
0x30: {  	[sflag:s0] =	ssyncadd.tile.s32 @!p0 $0x1;
	_ =	shalt  }
.Lfunc_end2:
_tile_overlayer_lowered:
.L_overlay_start_2:
0x31: {  	(tag) =	ssettag $0x2  }
0x32: {  	s0 =	rddreg [dreg:$0x0];
	s2 =	stileid.u32  }
0x33: {  	s1 =	rddreg [dreg:$0x1];
	p0 =	sne.s32 s2, $0x0  }
0x34: {  	s3 =	rddreg [dreg:$0x2];
	[bflag:$0x3] =	sbarrier.arrive $0xFFFF;
	s2 =	simm.s32 @!p0 $0x1C01  }
0x35: {  	[timem:s3], [sflag:s2] =	dma.local @!p0 [hbm:s0], s1  }
0x36: {  	s0 =	simm.s32 @!p0 $0x1  }
0x37: {  	_ =	swait.ge @!p0 [sflag:s0], s1  }
0x38: {  	s1 =	ssub.s32 @!p0 $0x0, s1;
	[sflag:s0] =	ssyncset.done @!p0 $0x0  }
0x39: {  	[sflag:s0] =	ssyncadd.s32 @!p0 s1  }
0x3a: {  	[bflag:$0x3] =	sbarrier.arrive $0xFFFF  }
0x3b: {  	_ =	shalt  }

</sc_bundles>
